<compile_context>
chip_gen: v7x
topology: tpu7x:2x2x1
jax: 0.10.2.dev20260603
libtpu: 0.0.44.dev20260713+nightly
codegen_flags: <defaults>
</compile_context>

<pallas_src>
import functools
import math

import jax
import jax.numpy as jnp
from jax import lax
from jax.experimental import pallas as pl
from jax.experimental.pallas import tpu as pltpu
from jax.experimental.pallas import tpu_sc as plsc

D_MODEL = 512
EMB_SCALE = math.sqrt(float(D_MODEL))


def _sc_gather_tokmajor(table, idx_groups, f, bsz, t):
    d = table.shape[1]
    info = plsc.get_sparse_core_info()
    num_workers = info.num_cores * info.num_subcores
    n_groups = bsz // 8
    g_per_w = n_groups // num_workers
    pc = f // 2
    rows_c = pc * 8
    mesh = plsc.VectorSubcoreMesh(core_axis_name="c", subcore_axis_name="s")

    @functools.partial(
        pl.kernel,
        mesh=mesh,
        out_type=jax.ShapeDtypeStruct((f + t, bsz, d), jnp.float32),
        scratch_types=[
            pltpu.VMEM((rows_c,), jnp.int32),
            pltpu.VMEM((rows_c, d), jnp.float32),
            pltpu.SemaphoreType.DMA,
        ],
    )
    def k(table_hbm, idx_hbm, out_hbm, idx_v, gath_v, sem):
        wid = lax.axis_index("s") * info.num_cores + lax.axis_index("c")

        def one_chunk(c, _):
            g = wid * g_per_w + c // 2
            half = c % 2
            pltpu.sync_copy(
                idx_hbm.at[pl.ds(g * (f * 8) + half * rows_c, rows_c)], idx_v
            )
            pltpu.async_copy(table_hbm.at[idx_v], gath_v, sem).wait()

            def scale_row(r, _):
                for cc in range(d // 16):
                    sl = pl.ds(cc * 16, 16)
                    gath_v[r, sl] = gath_v[r, sl] * EMB_SCALE
                return 0

            lax.fori_loop(0, rows_c, scale_row, 0)
            pltpu.sync_copy(
                gath_v.reshape(pc, 8, d),
                out_hbm.at[pl.ds(half * pc, pc), pl.ds(g * 8, 8)],
            )
            return 0

        lax.fori_loop(0, 2 * g_per_w, one_chunk, 0)

    return k(table, idx_groups)


def _tc_matmul_tokmajor(spec, w, b, outT0, f):
    bsz, t, d = spec.shape
    bb = 256
    nj = t // 8
    ni = bsz // bb
    n_steps = ni * nj
    ring = 3

    def body(o_alias, s_hbm, w_ref, b_ref, o_hbm, s_bufs, o_bufs, fsems, wsems):
        step = pl.program_id(0)
        i = step // nj
        j = step % nj

        def fetch(s, q):
            pltpu.make_async_copy(
                s_hbm.at[pl.ds((s // nj) * bb, bb), pl.ds((s % nj) * 8, 8)],
                s_bufs[q],
                fsems[q],
            ).start()

        @pl.when(step == 0)
        def _():
            for q in range(ring - 1):
                fetch(step + q, q)

        fslot = step % ring
        oslot = step % 2

        def do_step(qf):
            pltpu.make_async_copy(
                s_hbm.at[pl.ds(0, bb), pl.ds(0, 8)], s_bufs[qf], fsems[qf]
            ).wait()

            @pl.when(step + ring - 1 < n_steps)
            def _():
                fetch(step + ring - 1, (qf + ring - 1) % ring)

            m = jnp.dot(
                s_bufs[qf][...].reshape(bb * 8, d),
                w_ref[...],
                preferred_element_type=jnp.float32,
            )
            m3 = (m + b_ref[...]).reshape(bb, 8, d)

            def write_out(qo):
                @pl.when(step >= 2)
                def _():
                    pltpu.make_async_copy(
                        o_bufs[qo], o_hbm.at[pl.ds(0, 8), pl.ds(0, bb)], wsems[qo]
                    ).wait()

                for tt in range(8):
                    o_bufs[qo][tt, :, :] = m3[:, tt, :]
                pltpu.make_async_copy(
                    o_bufs[qo],
                    o_hbm.at[pl.ds(f + j * 8, 8), pl.ds(i * bb, bb)],
                    wsems[qo],
                ).start()

            for qo in range(2):
                @pl.when(oslot == qo)
                def _(qo=qo):
                    write_out(qo)

        for qf in range(ring):
            @pl.when(fslot == qf)
            def _(qf=qf):
                do_step(qf)

        @pl.when(step == n_steps - 1)
        def _():
            for qo in range(2):
                pltpu.make_async_copy(
                    o_bufs[qo], o_hbm.at[pl.ds(0, 8), pl.ds(0, bb)], wsems[qo]
                ).wait()

    return pl.pallas_call(
        body,
        grid=(n_steps,),
        in_specs=[
            pl.BlockSpec(memory_space=pl.ANY),
            pl.BlockSpec(memory_space=pl.ANY),
            pl.BlockSpec((d, d), lambda s: (0, 0)),
            pl.BlockSpec((1, d), lambda s: (0, 0)),
        ],
        out_specs=pl.BlockSpec(memory_space=pl.ANY),
        out_shape=jax.ShapeDtypeStruct((f + t, bsz, d), jnp.float32),
        scratch_shapes=[
            [pltpu.VMEM((bb, 8, d), jnp.float32) for _ in range(3)],
            [pltpu.VMEM((8, bb, d), jnp.float32) for _ in range(2)],
            [pltpu.SemaphoreType.DMA for _ in range(3)],
            [pltpu.SemaphoreType.DMA for _ in range(2)],
        ],
        input_output_aliases={0: 0},
    )(outT0, spec, w, b)


def kernel(formula, spec, formula_table, W_spec, b_spec):
    bsz, f = formula.shape
    d = D_MODEL
    t = spec.shape[1]

    idx_groups = (
        formula.astype(jnp.int32)
        .reshape(bsz // 8, 8, f)
        .transpose(0, 2, 1)
        .reshape(-1)
    )
    outT0 = _sc_gather_tokmajor(formula_table, idx_groups, f, bsz, t)
    outT = _tc_matmul_tokmajor(spec, W_spec, b_spec.reshape(1, d), outT0, f)
    return jnp.transpose(outT, (1, 0, 2))

# --- scband reference (transcript-rebuilt; emitter-appended) ---
"""Pipeline reference for scband-formula-spec-embed-85521388798442 (READ-ONLY COPY).

The authoritative reference and input builder live on the scoring server;
editing this copy changes nothing except your own understanding.
"""

import jax, jax.numpy as jnp
import numpy as np
import math

D_MODEL = 512
VOCAB = 100000
SPEC_DIM = 512

def setup_inputs(seed: int = 0) -> dict:
    key = jax.random.key(seed)
    k1, k2, k3, k4, k5 = jax.random.split(key, 5)
    formula = jax.random.randint(k1, (1024, 50), 0, VOCAB, dtype=jnp.int64 if jax.config.jax_enable_x64 else jnp.int32)
    spec = jax.random.normal(k2, (1024, 200, SPEC_DIM), dtype=jnp.float32)
    formula_table = jax.random.normal(k3, (VOCAB, D_MODEL), dtype=jnp.float32) * 0.02
    W_spec = jax.random.normal(k4, (SPEC_DIM, D_MODEL), dtype=jnp.float32) * (1.0 / math.sqrt(SPEC_DIM))
    b_spec = jnp.zeros((D_MODEL,), dtype=jnp.float32)
    return {"formula": formula, "spec": spec, "formula_table": formula_table, "W_spec": W_spec, "b_spec": b_spec}

def reference(formula, spec, formula_table, W_spec, b_spec):
    # atf.Embeddings: lookup scaled by sqrt(d_model) (standard transformer embedding)
    formula_ = jnp.take(formula_table, formula, axis=0) * jnp.sqrt(jnp.asarray(D_MODEL, dtype=jnp.float32))
    # spec_embed: linear projection of spectral features to d_model
    spec_ = jnp.einsum('bld,dm->blm', spec, W_spec) + b_spec
    return jnp.concatenate((formula_, spec_), axis=1)

if __name__ == "__main__":
    import jax
    _d = setup_inputs()
    print(jax.jit(kernel)(*tuple(_d.values())))

</pallas_src>

<mosaic_0001>
#map = affine_map<(d0, d1) -> (0, 0)>
#map1 = affine_map<(d0, d1) -> (0)>
#map2 = affine_map<(d0, d1) -> (0, 0, 0)>
module attributes {stable_mosaic.version = 14 : i64} {
  func.func @k(%arg0: i32, %arg1: i32, %arg2: memref<100000x512xf32, #tpu.memory_space<hbm>>, %arg3: memref<51200xi32, #tpu.memory_space<hbm>>, %arg4: memref<250x1024x512xf32, #tpu.memory_space<hbm>>, %arg5: memref<200xi32, #tpu.memory_space<vmem>>, %arg6: memref<200x512xf32, #tpu.memory_space<vmem>>, %arg7: memref<!tpu.dma_semaphore, #tpu.memory_space<semaphore_mem>>) attributes {dimension_semantics = [#tpu.dimension_semantics<core_parallel>, #tpu.dimension_semantics<subcore_parallel>], iteration_bounds = array<i64: 2, 16>, scalar_prefetch = 0 : i64, scratch_operands = 3 : i64, tpu.core_type = #tpu.core_type<sc_vector_subcore>, window_params = [{transform_indices = #map}, {transform_indices = #map1}, {transform_indices = #map2}]} {
    %mul3A = arith.constant 2 : i32
    %mul3A_0 = arith.muli %arg1, %mul3A : i32
    %add3A = arith.addi %mul3A_0, %arg0 : i32
    %scan3A = arith.constant 0 : i32
    %scan3A_1 = arith.constant 0 : i32
    %scan3A_2 = arith.constant 8 : i32
    %scan3A_3 = arith.addi %scan3A_1, %scan3A_2 : i32
    %scan3A_4 = arith.constant 1 : i32
    %scan3A_5 = scf.for %scan3A_7 = %scan3A_1 to %scan3A_3 step %scan3A_4 iter_args(%scan3A_8 = %scan3A) -> (i32)  : i32 {
      %mul3A_9 = arith.constant 4 : i32
      %mul3A_10 = arith.muli %add3A, %mul3A_9 : i32
      %jit3A = arith.constant 2 : i32
      %div3A = arith.divsi %scan3A_7, %jit3A : i32
      %sign3A = arith.constant 0 : i32
      %sign3A_11 = arith.cmpi sgt, %scan3A_7, %sign3A : i32
      %sign3A_12 = arith.extui %sign3A_11 : i1 to i32
      %sign3A_13 = arith.constant 0 : i32
      %sign3A_14 = arith.cmpi slt, %scan3A_7, %sign3A_13 : i32
      %sign3A_15 = arith.extui %sign3A_14 : i1 to i32
      %sign3A_16 = arith.subi %sign3A_12, %sign3A_15 : i32
      %sign3A_17 = arith.constant 0 : i32
      %sign3A_18 = arith.cmpi sgt, %jit3A, %sign3A_17 : i32
      %sign3A_19 = arith.extui %sign3A_18 : i1 to i32
      %sign3A_20 = arith.constant 0 : i32
      %sign3A_21 = arith.cmpi slt, %jit3A, %sign3A_20 : i32
      %sign3A_22 = arith.extui %sign3A_21 : i1 to i32
      %sign3A_23 = arith.subi %sign3A_19, %sign3A_22 : i32
      %ne3A = arith.cmpi ne, %sign3A_16, %sign3A_23 : i32
      %rem3A = arith.remsi %scan3A_7, %jit3A : i32
      %ne3A_24 = arith.constant 0 : i32
      %ne3A_25 = arith.cmpi ne, %rem3A, %ne3A_24 : i32
      %and3A = arith.andi %ne3A, %ne3A_25 : i1
      %sub3A = arith.constant 1 : i32
      %sub3A_26 = arith.subi %div3A, %sub3A : i32
      %select_n3A = arith.select %and3A, %sub3A_26, %div3A : i32
      %add3A_27 = arith.addi %mul3A_10, %select_n3A : i32
      %jit3A_28 = arith.constant 2 : i32
      %eq3A = arith.constant 0 : i32
      %eq3A_29 = arith.cmpi eq, %jit3A_28, %eq3A : i32
      %jit3A_30 = arith.constant 1 : i32
      %select_n3A_31 = arith.select %eq3A_29, %jit3A_30, %jit3A_28 : i32
      %rem3A_32 = arith.remsi %scan3A_7, %select_n3A_31 : i32
      %ne3A_33 = arith.constant 0 : i32
      %ne3A_34 = arith.cmpi ne, %rem3A_32, %ne3A_33 : i32
      %lt3A = arith.constant 0 : i32
      %lt3A_35 = arith.cmpi slt, %rem3A_32, %lt3A : i32
      %lt3A_36 = arith.constant 0 : i32
      %lt3A_37 = arith.cmpi slt, %select_n3A_31, %lt3A_36 : i32
      %ne3A_38 = arith.xori %lt3A_35, %lt3A_37 : i1
      %and3A_39 = arith.andi %ne3A_38, %ne3A_34 : i1
      %add3A_40 = arith.addi %rem3A_32, %select_n3A_31 : i32
      %select_n3A_41 = arith.select %and3A_39, %add3A_40, %rem3A_32 : i32
      %mul3A_42 = arith.constant 400 : i32
      %mul3A_43 = arith.muli %add3A_27, %mul3A_42 : i32
      %mul3A_44 = arith.constant 200 : i32
      %mul3A_45 = arith.muli %select_n3A_41, %mul3A_44 : i32
      %add3A_46 = arith.addi %mul3A_43, %mul3A_45 : i32
      "tpu.region"() ({
        %run_scoped3A = tpu.sem_alloc : memref<!tpu.dma_semaphore, #tpu.memory_space<semaphore_mem>>
        %dma_start3A_63 = tpu.memref_slice %arg3[%add3A_46] : memref<51200xi32, #tpu.memory_space<hbm>> -> memref<200xi32, #tpu.memory_space<hbm>>
        %dma_start3A_64 = tpu.memref_slice %arg3[%add3A_46] : memref<51200xi32, #tpu.memory_space<hbm>> -> memref<200xi32, #tpu.memory_space<hbm>>
        tpu.enqueue_dma source(%dma_start3A_64 : memref<200xi32, #tpu.memory_space<hbm>>) target(%arg5 : memref<200xi32, #tpu.memory_space<vmem>>) target_semaphore(%run_scoped3A : memref<!tpu.dma_semaphore, #tpu.memory_space<semaphore_mem>>)
        %dma_wait3A_65 = tpu.memref_slice %arg3[%add3A_46] : memref<51200xi32, #tpu.memory_space<hbm>> -> memref<200xi32, #tpu.memory_space<hbm>>
        %dma_wait3A_66 = tpu.memref_slice %arg3[%add3A_46] : memref<51200xi32, #tpu.memory_space<hbm>> -> memref<200xi32, #tpu.memory_space<hbm>>
        tpu.wait_dma2 semaphore(%run_scoped3A : memref<!tpu.dma_semaphore, #tpu.memory_space<semaphore_mem>>) src(%dma_wait3A_66 : memref<200xi32, #tpu.memory_space<hbm>>) dst(%arg5 : memref<200xi32, #tpu.memory_space<vmem>>)
        tpu.yield
      }) : () -> ()
      %dma_start3A = arith.constant 0 : i32
      %dma_start3A_47 = arith.constant 0 : i32
      %dma_start3A_48 = tpu.memref_slice %arg2[%dma_start3A, %dma_start3A_47] : memref<100000x512xf32, #tpu.memory_space<hbm>> -> memref<100000x512xf32, #tpu.memory_space<hbm>>
      tpu.enqueue_indirect_dma source(%dma_start3A_48 : memref<100000x512xf32, #tpu.memory_space<hbm>>) target(%arg6 : memref<200x512xf32, #tpu.memory_space<vmem>>) offsets(%arg5 : memref<200xi32, #tpu.memory_space<vmem>>) semaphore(%arg7 : memref<!tpu.dma_semaphore, #tpu.memory_space<semaphore_mem>>)
      %dma_wait3A = arith.constant 0 : i32
      %dma_wait3A_49 = arith.constant 0 : i32
      %dma_wait3A_50 = tpu.memref_slice %arg2[%dma_wait3A, %dma_wait3A_49] : memref<100000x512xf32, #tpu.memory_space<hbm>> -> memref<100000x512xf32, #tpu.memory_space<hbm>>
      tpu.wait_indirect_dma semaphore(%arg7 : memref<!tpu.dma_semaphore, #tpu.memory_space<semaphore_mem>>) src(%dma_wait3A_50 : memref<100000x512xf32, #tpu.memory_space<hbm>>) dst(%arg6 : memref<200x512xf32, #tpu.memory_space<vmem>>)
      %scan3A_51 = arith.constant 0 : i32
      %scan3A_52 = arith.constant 0 : i32
      %scan3A_53 = arith.constant 200 : i32
      %scan3A_54 = arith.addi %scan3A_52, %scan3A_53 : i32
      %scan3A_55 = arith.constant 1 : i32
      %scan3A_56 = scf.for %scan3A_63 = %scan3A_52 to %scan3A_54 step %scan3A_55 iter_args(%scan3A_64 = %scan3A_51) -> (i32)  : i32 {
        %get3A = arith.index_cast %scan3A_63 : i32 to index
        %get3A_65 = arith.constant 0 : index
        %get3A_66 = tpu.vector_load %arg6[%get3A, %get3A_65] {strides = array<i32>} : memref<200x512xf32, #tpu.memory_space<vmem>>, vector<1x16xf32>,
        %get3A_67 = vector.shape_cast %get3A_66 : vector<1x16xf32> to vector<16xf32>
        %mul3A_68 = arith.constant 22.6274166 : f32
        %mul3A_69 = vector.broadcast %mul3A_68 : f32 to vector<16xf32>
        %mul3A_70 = arith.mulf %get3A_67, %mul3A_69 : vector<16xf32>
        %swap3A = arith.index_cast %scan3A_63 : i32 to index
        %swap3A_71 = arith.constant 0 : index
        %swap3A_72 = tpu.vector_load %arg6[%swap3A, %swap3A_71] {strides = array<i32>} : memref<200x512xf32, #tpu.memory_space<vmem>>, vector<1x16xf32>,
        %swap3A_73 = vector.shape_cast %swap3A_72 : vector<1x16xf32> to vector<16xf32>
        %swap3A_74 = vector.shape_cast %mul3A_70 : vector<16xf32> to vector<1x16xf32>
        tpu.vector_store %arg6[%swap3A, %swap3A_71], %swap3A_74 {strides = array<i32>} : memref<200x512xf32, #tpu.memory_space<vmem>>, vector<1x16xf32>,
        %get3A_75 = arith.index_cast %scan3A_63 : i32 to index
        %get3A_76 = arith.constant 16 : index
        %get3A_77 = tpu.vector_load %arg6[%get3A_75, %get3A_76] {strides = array<i32>} : memref<200x512xf32, #tpu.memory_space<vmem>>, vector<1x16xf32>,
        %get3A_78 = vector.shape_cast %get3A_77 : vector<1x16xf32> to vector<16xf32>
        %mul3A_79 = arith.constant 22.6274166 : f32
        %mul3A_80 = vector.broadcast %mul3A_79 : f32 to vector<16xf32>
        %mul3A_81 = arith.mulf %get3A_78, %mul3A_80 : vector<16xf32>
        %swap3A_82 = arith.index_cast %scan3A_63 : i32 to index
        %swap3A_83 = arith.constant 16 : index
        %swap3A_84 = tpu.vector_load %arg6[%swap3A_82, %swap3A_83] {strides = array<i32>} : memref<200x512xf32, #tpu.memory_space<vmem>>, vector<1x16xf32>,
        %swap3A_85 = vector.shape_cast %swap3A_84 : vector<1x16xf32> to vector<16xf32>
        %swap3A_86 = vector.shape_cast %mul3A_81 : vector<16xf32> to vector<1x16xf32>
        tpu.vector_store %arg6[%swap3A_82, %swap3A_83], %swap3A_86 {strides = array<i32>} : memref<200x512xf32, #tpu.memory_space<vmem>>, vector<1x16xf32>,
        %get3A_87 = arith.index_cast %scan3A_63 : i32 to index
        %get3A_88 = arith.constant 32 : index
        %get3A_89 = tpu.vector_load %arg6[%get3A_87, %get3A_88] {strides = array<i32>} : memref<200x512xf32, #tpu.memory_space<vmem>>, vector<1x16xf32>,
        %get3A_90 = vector.shape_cast %get3A_89 : vector<1x16xf32> to vector<16xf32>
        %mul3A_91 = arith.constant 22.6274166 : f32
        %mul3A_92 = vector.broadcast %mul3A_91 : f32 to vector<16xf32>
        %mul3A_93 = arith.mulf %get3A_90, %mul3A_92 : vector<16xf32>
        %swap3A_94 = arith.index_cast %scan3A_63 : i32 to index
        %swap3A_95 = arith.constant 32 : index
        %swap3A_96 = tpu.vector_load %arg6[%swap3A_94, %swap3A_95] {strides = array<i32>} : memref<200x512xf32, #tpu.memory_space<vmem>>, vector<1x16xf32>,
        %swap3A_97 = vector.shape_cast %swap3A_96 : vector<1x16xf32> to vector<16xf32>
        %swap3A_98 = vector.shape_cast %mul3A_93 : vector<16xf32> to vector<1x16xf32>
        tpu.vector_store %arg6[%swap3A_94, %swap3A_95], %swap3A_98 {strides = array<i32>} : memref<200x512xf32, #tpu.memory_space<vmem>>, vector<1x16xf32>,
        %get3A_99 = arith.index_cast %scan3A_63 : i32 to index
        %get3A_100 = arith.constant 48 : index
        %get3A_101 = tpu.vector_load %arg6[%get3A_99, %get3A_100] {strides = array<i32>} : memref<200x512xf32, #tpu.memory_space<vmem>>, vector<1x16xf32>,
        %get3A_102 = vector.shape_cast %get3A_101 : vector<1x16xf32> to vector<16xf32>
        %mul3A_103 = arith.constant 22.6274166 : f32
        %mul3A_104 = vector.broadcast %mul3A_103 : f32 to vector<16xf32>
        %mul3A_105 = arith.mulf %get3A_102, %mul3A_104 : vector<16xf32>
        %swap3A_106 = arith.index_cast %scan3A_63 : i32 to index
        %swap3A_107 = arith.constant 48 : index
        %swap3A_108 = tpu.vector_load %arg6[%swap3A_106, %swap3A_107] {strides = array<i32>} : memref<200x512xf32, #tpu.memory_space<vmem>>, vector<1x16xf32>,
        %swap3A_109 = vector.shape_cast %swap3A_108 : vector<1x16xf32> to vector<16xf32>
        %swap3A_110 = vector.shape_cast %mul3A_105 : vector<16xf32> to vector<1x16xf32>
        tpu.vector_store %arg6[%swap3A_106, %swap3A_107], %swap3A_110 {strides = array<i32>} : memref<200x512xf32, #tpu.memory_space<vmem>>, vector<1x16xf32>,
        %get3A_111 = arith.index_cast %scan3A_63 : i32 to index
        %get3A_112 = arith.constant 64 : index
        %get3A_113 = tpu.vector_load %arg6[%get3A_111, %get3A_112] {strides = array<i32>} : memref<200x512xf32, #tpu.memory_space<vmem>>, vector<1x16xf32>,
        %get3A_114 = vector.shape_cast %get3A_113 : vector<1x16xf32> to vector<16xf32>
        %mul3A_115 = arith.constant 22.6274166 : f32
        %mul3A_116 = vector.broadcast %mul3A_115 : f32 to vector<16xf32>
        %mul3A_117 = arith.mulf %get3A_114, %mul3A_116 : vector<16xf32>
        %swap3A_118 = arith.index_cast %scan3A_63 : i32 to index
        %swap3A_119 = arith.constant 64 : index
        %swap3A_120 = tpu.vector_load %arg6[%swap3A_118, %swap3A_119] {strides = array<i32>} : memref<200x512xf32, #tpu.memory_space<vmem>>, vector<1x16xf32>,
        %swap3A_121 = vector.shape_cast %swap3A_120 : vector<1x16xf32> to vector<16xf32>
        %swap3A_122 = vector.shape_cast %mul3A_117 : vector<16xf32> to vector<1x16xf32>
        tpu.vector_store %arg6[%swap3A_118, %swap3A_119], %swap3A_122 {strides = array<i32>} : memref<200x512xf32, #tpu.memory_space<vmem>>, vector<1x16xf32>,
        %get3A_123 = arith.index_cast %scan3A_63 : i32 to index
        %get3A_124 = arith.constant 80 : index
        %get3A_125 = tpu.vector_load %arg6[%get3A_123, %get3A_124] {strides = array<i32>} : memref<200x512xf32, #tpu.memory_space<vmem>>, vector<1x16xf32>,
        %get3A_126 = vector.shape_cast %get3A_125 : vector<1x16xf32> to vector<16xf32>
        %mul3A_127 = arith.constant 22.6274166 : f32
        %mul3A_128 = vector.broadcast %mul3A_127 : f32 to vector<16xf32>
        %mul3A_129 = arith.mulf %get3A_126, %mul3A_128 : vector<16xf32>
        %swap3A_130 = arith.index_cast %scan3A_63 : i32 to index
        %swap3A_131 = arith.constant 80 : index
        %swap3A_132 = tpu.vector_load %arg6[%swap3A_130, %swap3A_131] {strides = array<i32>} : memref<200x512xf32, #tpu.memory_space<vmem>>, vector<1x16xf32>,
        %swap3A_133 = vector.shape_cast %swap3A_132 : vector<1x16xf32> to vector<16xf32>
        %swap3A_134 = vector.shape_cast %mul3A_129 : vector<16xf32> to vector<1x16xf32>
        tpu.vector_store %arg6[%swap3A_130, %swap3A_131], %swap3A_134 {strides = array<i32>} : memref<200x512xf32, #tpu.memory_space<vmem>>, vector<1x16xf32>,
        %get3A_135 = arith.index_cast %scan3A_63 : i32 to index
        %get3A_136 = arith.constant 96 : index
        %get3A_137 = tpu.vector_load %arg6[%get3A_135, %get3A_136] {strides = array<i32>} : memref<200x512xf32, #tpu.memory_space<vmem>>, vector<1x16xf32>,
        %get3A_138 = vector.shape_cast %get3A_137 : vector<1x16xf32> to vector<16xf32>
        %mul3A_139 = arith.constant 22.6274166 : f32
        %mul3A_140 = vector.broadcast %mul3A_139 : f32 to vector<16xf32>
        %mul3A_141 = arith.mulf %get3A_138, %mul3A_140 : vector<16xf32>
        %swap3A_142 = arith.index_cast %scan3A_63 : i32 to index
        %swap3A_143 = arith.constant 96 : index
        %swap3A_144 = tpu.vector_load %arg6[%swap3A_142, %swap3A_143] {strides = array<i32>} : memref<200x512xf32, #tpu.memory_space<vmem>>, vector<1x16xf32>,
        %swap3A_145 = vector.shape_cast %swap3A_144 : vector<1x16xf32> to vector<16xf32>
        %swap3A_146 = vector.shape_cast %mul3A_141 : vector<16xf32> to vector<1x16xf32>
        tpu.vector_store %arg6[%swap3A_142, %swap3A_143], %swap3A_146 {strides = array<i32>} : memref<200x512xf32, #tpu.memory_space<vmem>>, vector<1x16xf32>,
        %get3A_147 = arith.index_cast %scan3A_63 : i32 to index
        %get3A_148 = arith.constant 112 : index
        %get3A_149 = tpu.vector_load %arg6[%get3A_147, %get3A_148] {strides = array<i32>} : memref<200x512xf32, #tpu.memory_space<vmem>>, vector<1x16xf32>,
        %get3A_150 = vector.shape_cast %get3A_149 : vector<1x16xf32> to vector<16xf32>
        %mul3A_151 = arith.constant 22.6274166 : f32
        %mul3A_152 = vector.broadcast %mul3A_151 : f32 to vector<16xf32>
        %mul3A_153 = arith.mulf %get3A_150, %mul3A_152 : vector<16xf32>
        %swap3A_154 = arith.index_cast %scan3A_63 : i32 to index
        %swap3A_155 = arith.constant 112 : index
        %swap3A_156 = tpu.vector_load %arg6[%swap3A_154, %swap3A_155] {strides = array<i32>} : memref<200x512xf32, #tpu.memory_space<vmem>>, vector<1x16xf32>,
        %swap3A_157 = vector.shape_cast %swap3A_156 : vector<1x16xf32> to vector<16xf32>
        %swap3A_158 = vector.shape_cast %mul3A_153 : vector<16xf32> to vector<1x16xf32>
        tpu.vector_store %arg6[%swap3A_154, %swap3A_155], %swap3A_158 {strides = array<i32>} : memref<200x512xf32, #tpu.memory_space<vmem>>, vector<1x16xf32>,
        %get3A_159 = arith.index_cast %scan3A_63 : i32 to index
        %get3A_160 = arith.constant 128 : index
        %get3A_161 = tpu.vector_load %arg6[%get3A_159, %get3A_160] {strides = array<i32>} : memref<200x512xf32, #tpu.memory_space<vmem>>, vector<1x16xf32>,
        %get3A_162 = vector.shape_cast %get3A_161 : vector<1x16xf32> to vector<16xf32>
        %mul3A_163 = arith.constant 22.6274166 : f32
        %mul3A_164 = vector.broadcast %mul3A_163 : f32 to vector<16xf32>
        %mul3A_165 = arith.mulf %get3A_162, %mul3A_164 : vector<16xf32>
        %swap3A_166 = arith.index_cast %scan3A_63 : i32 to index
        %swap3A_167 = arith.constant 128 : index
        %swap3A_168 = tpu.vector_load %arg6[%swap3A_166, %swap3A_167] {strides = array<i32>} : memref<200x512xf32, #tpu.memory_space<vmem>>, vector<1x16xf32>,
        %swap3A_169 = vector.shape_cast %swap3A_168 : vector<1x16xf32> to vector<16xf32>
        %swap3A_170 = vector.shape_cast %mul3A_165 : vector<16xf32> to vector<1x16xf32>
        tpu.vector_store %arg6[%swap3A_166, %swap3A_167], %swap3A_170 {strides = array<i32>} : memref<200x512xf32, #tpu.memory_space<vmem>>, vector<1x16xf32>,
        %get3A_171 = arith.index_cast %scan3A_63 : i32 to index
        %get3A_172 = arith.constant 144 : index
        %get3A_173 = tpu.vector_load %arg6[%get3A_171, %get3A_172] {strides = array<i32>} : memref<200x512xf32, #tpu.memory_space<vmem>>, vector<1x16xf32>,
        %get3A_174 = vector.shape_cast %get3A_173 : vector<1x16xf32> to vector<16xf32>
        %mul3A_175 = arith.constant 22.6274166 : f32
        %mul3A_176 = vector.broadcast %mul3A_175 : f32 to vector<16xf32>
        %mul3A_177 = arith.mulf %get3A_174, %mul3A_176 : vector<16xf32>
        %swap3A_178 = arith.index_cast %scan3A_63 : i32 to index
        %swap3A_179 = arith.constant 144 : index
        %swap3A_180 = tpu.vector_load %arg6[%swap3A_178, %swap3A_179] {strides = array<i32>} : memref<200x512xf32, #tpu.memory_space<vmem>>, vector<1x16xf32>,
        %swap3A_181 = vector.shape_cast %swap3A_180 : vector<1x16xf32> to vector<16xf32>
        %swap3A_182 = vector.shape_cast %mul3A_177 : vector<16xf32> to vector<1x16xf32>
        tpu.vector_store %arg6[%swap3A_178, %swap3A_179], %swap3A_182 {strides = array<i32>} : memref<200x512xf32, #tpu.memory_space<vmem>>, vector<1x16xf32>,
        %get3A_183 = arith.index_cast %scan3A_63 : i32 to index
        %get3A_184 = arith.constant 160 : index
        %get3A_185 = tpu.vector_load %arg6[%get3A_183, %get3A_184] {strides = array<i32>} : memref<200x512xf32, #tpu.memory_space<vmem>>, vector<1x16xf32>,
        %get3A_186 = vector.shape_cast %get3A_185 : vector<1x16xf32> to vector<16xf32>
        %mul3A_187 = arith.constant 22.6274166 : f32
        %mul3A_188 = vector.broadcast %mul3A_187 : f32 to vector<16xf32>
        %mul3A_189 = arith.mulf %get3A_186, %mul3A_188 : vector<16xf32>
        %swap3A_190 = arith.index_cast %scan3A_63 : i32 to index
        %swap3A_191 = arith.constant 160 : index
        %swap3A_192 = tpu.vector_load %arg6[%swap3A_190, %swap3A_191] {strides = array<i32>} : memref<200x512xf32, #tpu.memory_space<vmem>>, vector<1x16xf32>,
        %swap3A_193 = vector.shape_cast %swap3A_192 : vector<1x16xf32> to vector<16xf32>
        %swap3A_194 = vector.shape_cast %mul3A_189 : vector<16xf32> to vector<1x16xf32>
        tpu.vector_store %arg6[%swap3A_190, %swap3A_191], %swap3A_194 {strides = array<i32>} : memref<200x512xf32, #tpu.memory_space<vmem>>, vector<1x16xf32>,
        %get3A_195 = arith.index_cast %scan3A_63 : i32 to index
        %get3A_196 = arith.constant 176 : index
        %get3A_197 = tpu.vector_load %arg6[%get3A_195, %get3A_196] {strides = array<i32>} : memref<200x512xf32, #tpu.memory_space<vmem>>, vector<1x16xf32>,
        %get3A_198 = vector.shape_cast %get3A_197 : vector<1x16xf32> to vector<16xf32>
        %mul3A_199 = arith.constant 22.6274166 : f32
        %mul3A_200 = vector.broadcast %mul3A_199 : f32 to vector<16xf32>
        %mul3A_201 = arith.mulf %get3A_198, %mul3A_200 : vector<16xf32>
        %swap3A_202 = arith.index_cast %scan3A_63 : i32 to index
        %swap3A_203 = arith.constant 176 : index
        %swap3A_204 = tpu.vector_load %arg6[%swap3A_202, %swap3A_203] {strides = array<i32>} : memref<200x512xf32, #tpu.memory_space<vmem>>, vector<1x16xf32>,
        %swap3A_205 = vector.shape_cast %swap3A_204 : vector<1x16xf32> to vector<16xf32>
        %swap3A_206 = vector.shape_cast %mul3A_201 : vector<16xf32> to vector<1x16xf32>
        tpu.vector_store %arg6[%swap3A_202, %swap3A_203], %swap3A_206 {strides = array<i32>} : memref<200x512xf32, #tpu.memory_space<vmem>>, vector<1x16xf32>,
        %get3A_207 = arith.index_cast %scan3A_63 : i32 to index
        %get3A_208 = arith.constant 192 : index
        %get3A_209 = tpu.vector_load %arg6[%get3A_207, %get3A_208] {strides = array<i32>} : memref<200x512xf32, #tpu.memory_space<vmem>>, vector<1x16xf32>,
        %get3A_210 = vector.shape_cast %get3A_209 : vector<1x16xf32> to vector<16xf32>
        %mul3A_211 = arith.constant 22.6274166 : f32
        %mul3A_212 = vector.broadcast %mul3A_211 : f32 to vector<16xf32>
        %mul3A_213 = arith.mulf %get3A_210, %mul3A_212 : vector<16xf32>
        %swap3A_214 = arith.index_cast %scan3A_63 : i32 to index
        %swap3A_215 = arith.constant 192 : index
        %swap3A_216 = tpu.vector_load %arg6[%swap3A_214, %swap3A_215] {strides = array<i32>} : memref<200x512xf32, #tpu.memory_space<vmem>>, vector<1x16xf32>,
        %swap3A_217 = vector.shape_cast %swap3A_216 : vector<1x16xf32> to vector<16xf32>
        %swap3A_218 = vector.shape_cast %mul3A_213 : vector<16xf32> to vector<1x16xf32>
        tpu.vector_store %arg6[%swap3A_214, %swap3A_215], %swap3A_218 {strides = array<i32>} : memref<200x512xf32, #tpu.memory_space<vmem>>, vector<1x16xf32>,
        %get3A_219 = arith.index_cast %scan3A_63 : i32 to index
        %get3A_220 = arith.constant 208 : index
        %get3A_221 = tpu.vector_load %arg6[%get3A_219, %get3A_220] {strides = array<i32>} : memref<200x512xf32, #tpu.memory_space<vmem>>, vector<1x16xf32>,
        %get3A_222 = vector.shape_cast %get3A_221 : vector<1x16xf32> to vector<16xf32>
        %mul3A_223 = arith.constant 22.6274166 : f32
        %mul3A_224 = vector.broadcast %mul3A_223 : f32 to vector<16xf32>
        %mul3A_225 = arith.mulf %get3A_222, %mul3A_224 : vector<16xf32>
        %swap3A_226 = arith.index_cast %scan3A_63 : i32 to index
        %swap3A_227 = arith.constant 208 : index
        %swap3A_228 = tpu.vector_load %arg6[%swap3A_226, %swap3A_227] {strides = array<i32>} : memref<200x512xf32, #tpu.memory_space<vmem>>, vector<1x16xf32>,
        %swap3A_229 = vector.shape_cast %swap3A_228 : vector<1x16xf32> to vector<16xf32>
        %swap3A_230 = vector.shape_cast %mul3A_225 : vector<16xf32> to vector<1x16xf32>
        tpu.vector_store %arg6[%swap3A_226, %swap3A_227], %swap3A_230 {strides = array<i32>} : memref<200x512xf32, #tpu.memory_space<vmem>>, vector<1x16xf32>,
        %get3A_231 = arith.index_cast %scan3A_63 : i32 to index
        %get3A_232 = arith.constant 224 : index
        %get3A_233 = tpu.vector_load %arg6[%get3A_231, %get3A_232] {strides = array<i32>} : memref<200x512xf32, #tpu.memory_space<vmem>>, vector<1x16xf32>,
        %get3A_234 = vector.shape_cast %get3A_233 : vector<1x16xf32> to vector<16xf32>
        %mul3A_235 = arith.constant 22.6274166 : f32
        %mul3A_236 = vector.broadcast %mul3A_235 : f32 to vector<16xf32>
        %mul3A_237 = arith.mulf %get3A_234, %mul3A_236 : vector<16xf32>
        %swap3A_238 = arith.index_cast %scan3A_63 : i32 to index
        %swap3A_239 = arith.constant 224 : index
        %swap3A_240 = tpu.vector_load %arg6[%swap3A_238, %swap3A_239] {strides = array<i32>} : memref<200x512xf32, #tpu.memory_space<vmem>>, vector<1x16xf32>,
        %swap3A_241 = vector.shape_cast %swap3A_240 : vector<1x16xf32> to vector<16xf32>
        %swap3A_242 = vector.shape_cast %mul3A_237 : vector<16xf32> to vector<1x16xf32>
        tpu.vector_store %arg6[%swap3A_238, %swap3A_239], %swap3A_242 {strides = array<i32>} : memref<200x512xf32, #tpu.memory_space<vmem>>, vector<1x16xf32>,
        %get3A_243 = arith.index_cast %scan3A_63 : i32 to index
        %get3A_244 = arith.constant 240 : index
        %get3A_245 = tpu.vector_load %arg6[%get3A_243, %get3A_244] {strides = array<i32>} : memref<200x512xf32, #tpu.memory_space<vmem>>, vector<1x16xf32>,
        %get3A_246 = vector.shape_cast %get3A_245 : vector<1x16xf32> to vector<16xf32>
        %mul3A_247 = arith.constant 22.6274166 : f32
        %mul3A_248 = vector.broadcast %mul3A_247 : f32 to vector<16xf32>
        %mul3A_249 = arith.mulf %get3A_246, %mul3A_248 : vector<16xf32>
        %swap3A_250 = arith.index_cast %scan3A_63 : i32 to index
        %swap3A_251 = arith.constant 240 : index
        %swap3A_252 = tpu.vector_load %arg6[%swap3A_250, %swap3A_251] {strides = array<i32>} : memref<200x512xf32, #tpu.memory_space<vmem>>, vector<1x16xf32>,
        %swap3A_253 = vector.shape_cast %swap3A_252 : vector<1x16xf32> to vector<16xf32>
        %swap3A_254 = vector.shape_cast %mul3A_249 : vector<16xf32> to vector<1x16xf32>
        tpu.vector_store %arg6[%swap3A_250, %swap3A_251], %swap3A_254 {strides = array<i32>} : memref<200x512xf32, #tpu.memory_space<vmem>>, vector<1x16xf32>,
        %get3A_255 = arith.index_cast %scan3A_63 : i32 to index
        %get3A_256 = arith.constant 256 : index
        %get3A_257 = tpu.vector_load %arg6[%get3A_255, %get3A_256] {strides = array<i32>} : memref<200x512xf32, #tpu.memory_space<vmem>>, vector<1x16xf32>,
        %get3A_258 = vector.shape_cast %get3A_257 : vector<1x16xf32> to vector<16xf32>
        %mul3A_259 = arith.constant 22.6274166 : f32
        %mul3A_260 = vector.broadcast %mul3A_259 : f32 to vector<16xf32>
        %mul3A_261 = arith.mulf %get3A_258, %mul3A_260 : vector<16xf32>
        %swap3A_262 = arith.index_cast %scan3A_63 : i32 to index
        %swap3A_263 = arith.constant 256 : index
        %swap3A_264 = tpu.vector_load %arg6[%swap3A_262, %swap3A_263] {strides = array<i32>} : memref<200x512xf32, #tpu.memory_space<vmem>>, vector<1x16xf32>,
        %swap3A_265 = vector.shape_cast %swap3A_264 : vector<1x16xf32> to vector<16xf32>
        %swap3A_266 = vector.shape_cast %mul3A_261 : vector<16xf32> to vector<1x16xf32>
        tpu.vector_store %arg6[%swap3A_262, %swap3A_263], %swap3A_266 {strides = array<i32>} : memref<200x512xf32, #tpu.memory_space<vmem>>, vector<1x16xf32>,
        %get3A_267 = arith.index_cast %scan3A_63 : i32 to index
        %get3A_268 = arith.constant 272 : index
        %get3A_269 = tpu.vector_load %arg6[%get3A_267, %get3A_268] {strides = array<i32>} : memref<200x512xf32, #tpu.memory_space<vmem>>, vector<1x16xf32>,
        %get3A_270 = vector.shape_cast %get3A_269 : vector<1x16xf32> to vector<16xf32>
        %mul3A_271 = arith.constant 22.6274166 : f32
        %mul3A_272 = vector.broadcast %mul3A_271 : f32 to vector<16xf32>
        %mul3A_273 = arith.mulf %get3A_270, %mul3A_272 : vector<16xf32>
        %swap3A_274 = arith.index_cast %scan3A_63 : i32 to index
        %swap3A_275 = arith.constant 272 : index
        %swap3A_276 = tpu.vector_load %arg6[%swap3A_274, %swap3A_275] {strides = array<i32>} : memref<200x512xf32, #tpu.memory_space<vmem>>, vector<1x16xf32>,
        %swap3A_277 = vector.shape_cast %swap3A_276 : vector<1x16xf32> to vector<16xf32>
        %swap3A_278 = vector.shape_cast %mul3A_273 : vector<16xf32> to vector<1x16xf32>
        tpu.vector_store %arg6[%swap3A_274, %swap3A_275], %swap3A_278 {strides = array<i32>} : memref<200x512xf32, #tpu.memory_space<vmem>>, vector<1x16xf32>,
        %get3A_279 = arith.index_cast %scan3A_63 : i32 to index
        %get3A_280 = arith.constant 288 : index
        %get3A_281 = tpu.vector_load %arg6[%get3A_279, %get3A_280] {strides = array<i32>} : memref<200x512xf32, #tpu.memory_space<vmem>>, vector<1x16xf32>,
        %get3A_282 = vector.shape_cast %get3A_281 : vector<1x16xf32> to vector<16xf32>
        %mul3A_283 = arith.constant 22.6274166 : f32
        %mul3A_284 = vector.broadcast %mul3A_283 : f32 to vector<16xf32>
        %mul3A_285 = arith.mulf %get3A_282, %mul3A_284 : vector<16xf32>
        %swap3A_286 = arith.index_cast %scan3A_63 : i32 to index
        %swap3A_287 = arith.constant 288 : index
        %swap3A_288 = tpu.vector_load %arg6[%swap3A_286, %swap3A_287] {strides = array<i32>} : memref<200x512xf32, #tpu.memory_space<vmem>>, vector<1x16xf32>,
        %swap3A_289 = vector.shape_cast %swap3A_288 : vector<1x16xf32> to vector<16xf32>
        %swap3A_290 = vector.shape_cast %mul3A_285 : vector<16xf32> to vector<1x16xf32>
        tpu.vector_store %arg6[%swap3A_286, %swap3A_287], %swap3A_290 {strides = array<i32>} : memref<200x512xf32, #tpu.memory_space<vmem>>, vector<1x16xf32>,
        %get3A_291 = arith.index_cast %scan3A_63 : i32 to index
        %get3A_292 = arith.constant 304 : index
        %get3A_293 = tpu.vector_load %arg6[%get3A_291, %get3A_292] {strides = array<i32>} : memref<200x512xf32, #tpu.memory_space<vmem>>, vector<1x16xf32>,
        %get3A_294 = vector.shape_cast %get3A_293 : vector<1x16xf32> to vector<16xf32>
        %mul3A_295 = arith.constant 22.6274166 : f32
        %mul3A_296 = vector.broadcast %mul3A_295 : f32 to vector<16xf32>
        %mul3A_297 = arith.mulf %get3A_294, %mul3A_296 : vector<16xf32>
        %swap3A_298 = arith.index_cast %scan3A_63 : i32 to index
        %swap3A_299 = arith.constant 304 : index
        %swap3A_300 = tpu.vector_load %arg6[%swap3A_298, %swap3A_299] {strides = array<i32>} : memref<200x512xf32, #tpu.memory_space<vmem>>, vector<1x16xf32>,
        %swap3A_301 = vector.shape_cast %swap3A_300 : vector<1x16xf32> to vector<16xf32>
        %swap3A_302 = vector.shape_cast %mul3A_297 : vector<16xf32> to vector<1x16xf32>
        tpu.vector_store %arg6[%swap3A_298, %swap3A_299], %swap3A_302 {strides = array<i32>} : memref<200x512xf32, #tpu.memory_space<vmem>>, vector<1x16xf32>,
        %get3A_303 = arith.index_cast %scan3A_63 : i32 to index
        %get3A_304 = arith.constant 320 : index
        %get3A_305 = tpu.vector_load %arg6[%get3A_303, %get3A_304] {strides = array<i32>} : memref<200x512xf32, #tpu.memory_space<vmem>>, vector<1x16xf32>,
        %get3A_306 = vector.shape_cast %get3A_305 : vector<1x16xf32> to vector<16xf32>
        %mul3A_307 = arith.constant 22.6274166 : f32
        %mul3A_308 = vector.broadcast %mul3A_307 : f32 to vector<16xf32>
        %mul3A_309 = arith.mulf %get3A_306, %mul3A_308 : vector<16xf32>
        %swap3A_310 = arith.index_cast %scan3A_63 : i32 to index
        %swap3A_311 = arith.constant 320 : index
        %swap3A_312 = tpu.vector_load %arg6[%swap3A_310, %swap3A_311] {strides = array<i32>} : memref<200x512xf32, #tpu.memory_space<vmem>>, vector<1x16xf32>,
        %swap3A_313 = vector.shape_cast %swap3A_312 : vector<1x16xf32> to vector<16xf32>
        %swap3A_314 = vector.shape_cast %mul3A_309 : vector<16xf32> to vector<1x16xf32>
        tpu.vector_store %arg6[%swap3A_310, %swap3A_311], %swap3A_314 {strides = array<i32>} : memref<200x512xf32, #tpu.memory_space<vmem>>, vector<1x16xf32>,
        %get3A_315 = arith.index_cast %scan3A_63 : i32 to index
        %get3A_316 = arith.constant 336 : index
        %get3A_317 = tpu.vector_load %arg6[%get3A_315, %get3A_316] {strides = array<i32>} : memref<200x512xf32, #tpu.memory_space<vmem>>, vector<1x16xf32>,
        %get3A_318 = vector.shape_cast %get3A_317 : vector<1x16xf32> to vector<16xf32>
        %mul3A_319 = arith.constant 22.6274166 : f32
        %mul3A_320 = vector.broadcast %mul3A_319 : f32 to vector<16xf32>
        %mul3A_321 = arith.mulf %get3A_318, %mul3A_320 : vector<16xf32>
        %swap3A_322 = arith.index_cast %scan3A_63 : i32 to index
        %swap3A_323 = arith.constant 336 : index
        %swap3A_324 = tpu.vector_load %arg6[%swap3A_322, %swap3A_323] {strides = array<i32>} : memref<200x512xf32, #tpu.memory_space<vmem>>, vector<1x16xf32>,
        %swap3A_325 = vector.shape_cast %swap3A_324 : vector<1x16xf32> to vector<16xf32>
        %swap3A_326 = vector.shape_cast %mul3A_321 : vector<16xf32> to vector<1x16xf32>
        tpu.vector_store %arg6[%swap3A_322, %swap3A_323], %swap3A_326 {strides = array<i32>} : memref<200x512xf32, #tpu.memory_space<vmem>>, vector<1x16xf32>,
        %get3A_327 = arith.index_cast %scan3A_63 : i32 to index
        %get3A_328 = arith.constant 352 : index
        %get3A_329 = tpu.vector_load %arg6[%get3A_327, %get3A_328] {strides = array<i32>} : memref<200x512xf32, #tpu.memory_space<vmem>>, vector<1x16xf32>,
        %get3A_330 = vector.shape_cast %get3A_329 : vector<1x16xf32> to vector<16xf32>
        %mul3A_331 = arith.constant 22.6274166 : f32
        %mul3A_332 = vector.broadcast %mul3A_331 : f32 to vector<16xf32>
        %mul3A_333 = arith.mulf %get3A_330, %mul3A_332 : vector<16xf32>
        %swap3A_334 = arith.index_cast %scan3A_63 : i32 to index
        %swap3A_335 = arith.constant 352 : index
        %swap3A_336 = tpu.vector_load %arg6[%swap3A_334, %swap3A_335] {strides = array<i32>} : memref<200x512xf32, #tpu.memory_space<vmem>>, vector<1x16xf32>,
        %swap3A_337 = vector.shape_cast %swap3A_336 : vector<1x16xf32> to vector<16xf32>
        %swap3A_338 = vector.shape_cast %mul3A_333 : vector<16xf32> to vector<1x16xf32>
        tpu.vector_store %arg6[%swap3A_334, %swap3A_335], %swap3A_338 {strides = array<i32>} : memref<200x512xf32, #tpu.memory_space<vmem>>, vector<1x16xf32>,
        %get3A_339 = arith.index_cast %scan3A_63 : i32 to index
        %get3A_340 = arith.constant 368 : index
        %get3A_341 = tpu.vector_load %arg6[%get3A_339, %get3A_340] {strides = array<i32>} : memref<200x512xf32, #tpu.memory_space<vmem>>, vector<1x16xf32>,
        %get3A_342 = vector.shape_cast %get3A_341 : vector<1x16xf32> to vector<16xf32>
        %mul3A_343 = arith.constant 22.6274166 : f32
        %mul3A_344 = vector.broadcast %mul3A_343 : f32 to vector<16xf32>
        %mul3A_345 = arith.mulf %get3A_342, %mul3A_344 : vector<16xf32>
        %swap3A_346 = arith.index_cast %scan3A_63 : i32 to index
        %swap3A_347 = arith.constant 368 : index
        %swap3A_348 = tpu.vector_load %arg6[%swap3A_346, %swap3A_347] {strides = array<i32>} : memref<200x512xf32, #tpu.memory_space<vmem>>, vector<1x16xf32>,
        %swap3A_349 = vector.shape_cast %swap3A_348 : vector<1x16xf32> to vector<16xf32>
        %swap3A_350 = vector.shape_cast %mul3A_345 : vector<16xf32> to vector<1x16xf32>
        tpu.vector_store %arg6[%swap3A_346, %swap3A_347], %swap3A_350 {strides = array<i32>} : memref<200x512xf32, #tpu.memory_space<vmem>>, vector<1x16xf32>,
        %get3A_351 = arith.index_cast %scan3A_63 : i32 to index
        %get3A_352 = arith.constant 384 : index
        %get3A_353 = tpu.vector_load %arg6[%get3A_351, %get3A_352] {strides = array<i32>} : memref<200x512xf32, #tpu.memory_space<vmem>>, vector<1x16xf32>,
        %get3A_354 = vector.shape_cast %get3A_353 : vector<1x16xf32> to vector<16xf32>
        %mul3A_355 = arith.constant 22.6274166 : f32
        %mul3A_356 = vector.broadcast %mul3A_355 : f32 to vector<16xf32>
        %mul3A_357 = arith.mulf %get3A_354, %mul3A_356 : vector<16xf32>
        %swap3A_358 = arith.index_cast %scan3A_63 : i32 to index
        %swap3A_359 = arith.constant 384 : index
        %swap3A_360 = tpu.vector_load %arg6[%swap3A_358, %swap3A_359] {strides = array<i32>} : memref<200x512xf32, #tpu.memory_space<vmem>>, vector<1x16xf32>,
        %swap3A_361 = vector.shape_cast %swap3A_360 : vector<1x16xf32> to vector<16xf32>
        %swap3A_362 = vector.shape_cast %mul3A_357 : vector<16xf32> to vector<1x16xf32>
        tpu.vector_store %arg6[%swap3A_358, %swap3A_359], %swap3A_362 {strides = array<i32>} : memref<200x512xf32, #tpu.memory_space<vmem>>, vector<1x16xf32>,
        %get3A_363 = arith.index_cast %scan3A_63 : i32 to index
        %get3A_364 = arith.constant 400 : index
        %get3A_365 = tpu.vector_load %arg6[%get3A_363, %get3A_364] {strides = array<i32>} : memref<200x512xf32, #tpu.memory_space<vmem>>, vector<1x16xf32>,
        %get3A_366 = vector.shape_cast %get3A_365 : vector<1x16xf32> to vector<16xf32>
        %mul3A_367 = arith.constant 22.6274166 : f32
        %mul3A_368 = vector.broadcast %mul3A_367 : f32 to vector<16xf32>
        %mul3A_369 = arith.mulf %get3A_366, %mul3A_368 : vector<16xf32>
        %swap3A_370 = arith.index_cast %scan3A_63 : i32 to index
        %swap3A_371 = arith.constant 400 : index
        %swap3A_372 = tpu.vector_load %arg6[%swap3A_370, %swap3A_371] {strides = array<i32>} : memref<200x512xf32, #tpu.memory_space<vmem>>, vector<1x16xf32>,
        %swap3A_373 = vector.shape_cast %swap3A_372 : vector<1x16xf32> to vector<16xf32>
        %swap3A_374 = vector.shape_cast %mul3A_369 : vector<16xf32> to vector<1x16xf32>
        tpu.vector_store %arg6[%swap3A_370, %swap3A_371], %swap3A_374 {strides = array<i32>} : memref<200x512xf32, #tpu.memory_space<vmem>>, vector<1x16xf32>,
        %get3A_375 = arith.index_cast %scan3A_63 : i32 to index
        %get3A_376 = arith.constant 416 : index
        %get3A_377 = tpu.vector_load %arg6[%get3A_375, %get3A_376] {strides = array<i32>} : memref<200x512xf32, #tpu.memory_space<vmem>>, vector<1x16xf32>,
        %get3A_378 = vector.shape_cast %get3A_377 : vector<1x16xf32> to vector<16xf32>
        %mul3A_379 = arith.constant 22.6274166 : f32
        %mul3A_380 = vector.broadcast %mul3A_379 : f32 to vector<16xf32>
        %mul3A_381 = arith.mulf %get3A_378, %mul3A_380 : vector<16xf32>
        %swap3A_382 = arith.index_cast %scan3A_63 : i32 to index
        %swap3A_383 = arith.constant 416 : index
        %swap3A_384 = tpu.vector_load %arg6[%swap3A_382, %swap3A_383] {strides = array<i32>} : memref<200x512xf32, #tpu.memory_space<vmem>>, vector<1x16xf32>,
        %swap3A_385 = vector.shape_cast %swap3A_384 : vector<1x16xf32> to vector<16xf32>
        %swap3A_386 = vector.shape_cast %mul3A_381 : vector<16xf32> to vector<1x16xf32>
        tpu.vector_store %arg6[%swap3A_382, %swap3A_383], %swap3A_386 {strides = array<i32>} : memref<200x512xf32, #tpu.memory_space<vmem>>, vector<1x16xf32>,
        %get3A_387 = arith.index_cast %scan3A_63 : i32 to index
        %get3A_388 = arith.constant 432 : index
        %get3A_389 = tpu.vector_load %arg6[%get3A_387, %get3A_388] {strides = array<i32>} : memref<200x512xf32, #tpu.memory_space<vmem>>, vector<1x16xf32>,
        %get3A_390 = vector.shape_cast %get3A_389 : vector<1x16xf32> to vector<16xf32>
        %mul3A_391 = arith.constant 22.6274166 : f32
        %mul3A_392 = vector.broadcast %mul3A_391 : f32 to vector<16xf32>
        %mul3A_393 = arith.mulf %get3A_390, %mul3A_392 : vector<16xf32>
        %swap3A_394 = arith.index_cast %scan3A_63 : i32 to index
        %swap3A_395 = arith.constant 432 : index
        %swap3A_396 = tpu.vector_load %arg6[%swap3A_394, %swap3A_395] {strides = array<i32>} : memref<200x512xf32, #tpu.memory_space<vmem>>, vector<1x16xf32>,
        %swap3A_397 = vector.shape_cast %swap3A_396 : vector<1x16xf32> to vector<16xf32>
        %swap3A_398 = vector.shape_cast %mul3A_393 : vector<16xf32> to vector<1x16xf32>
        tpu.vector_store %arg6[%swap3A_394, %swap3A_395], %swap3A_398 {strides = array<i32>} : memref<200x512xf32, #tpu.memory_space<vmem>>, vector<1x16xf32>,
        %get3A_399 = arith.index_cast %scan3A_63 : i32 to index
        %get3A_400 = arith.constant 448 : index
        %get3A_401 = tpu.vector_load %arg6[%get3A_399, %get3A_400] {strides = array<i32>} : memref<200x512xf32, #tpu.memory_space<vmem>>, vector<1x16xf32>,
        %get3A_402 = vector.shape_cast %get3A_401 : vector<1x16xf32> to vector<16xf32>
        %mul3A_403 = arith.constant 22.6274166 : f32
        %mul3A_404 = vector.broadcast %mul3A_403 : f32 to vector<16xf32>
        %mul3A_405 = arith.mulf %get3A_402, %mul3A_404 : vector<16xf32>
        %swap3A_406 = arith.index_cast %scan3A_63 : i32 to index
        %swap3A_407 = arith.constant 448 : index
        %swap3A_408 = tpu.vector_load %arg6[%swap3A_406, %swap3A_407] {strides = array<i32>} : memref<200x512xf32, #tpu.memory_space<vmem>>, vector<1x16xf32>,
        %swap3A_409 = vector.shape_cast %swap3A_408 : vector<1x16xf32> to vector<16xf32>
        %swap3A_410 = vector.shape_cast %mul3A_405 : vector<16xf32> to vector<1x16xf32>
        tpu.vector_store %arg6[%swap3A_406, %swap3A_407], %swap3A_410 {strides = array<i32>} : memref<200x512xf32, #tpu.memory_space<vmem>>, vector<1x16xf32>,
        %get3A_411 = arith.index_cast %scan3A_63 : i32 to index
        %get3A_412 = arith.constant 464 : index
        %get3A_413 = tpu.vector_load %arg6[%get3A_411, %get3A_412] {strides = array<i32>} : memref<200x512xf32, #tpu.memory_space<vmem>>, vector<1x16xf32>,
        %get3A_414 = vector.shape_cast %get3A_413 : vector<1x16xf32> to vector<16xf32>
        %mul3A_415 = arith.constant 22.6274166 : f32
        %mul3A_416 = vector.broadcast %mul3A_415 : f32 to vector<16xf32>
        %mul3A_417 = arith.mulf %get3A_414, %mul3A_416 : vector<16xf32>
        %swap3A_418 = arith.index_cast %scan3A_63 : i32 to index
        %swap3A_419 = arith.constant 464 : index
        %swap3A_420 = tpu.vector_load %arg6[%swap3A_418, %swap3A_419] {strides = array<i32>} : memref<200x512xf32, #tpu.memory_space<vmem>>, vector<1x16xf32>,
        %swap3A_421 = vector.shape_cast %swap3A_420 : vector<1x16xf32> to vector<16xf32>
        %swap3A_422 = vector.shape_cast %mul3A_417 : vector<16xf32> to vector<1x16xf32>
        tpu.vector_store %arg6[%swap3A_418, %swap3A_419], %swap3A_422 {strides = array<i32>} : memref<200x512xf32, #tpu.memory_space<vmem>>, vector<1x16xf32>,
        %get3A_423 = arith.index_cast %scan3A_63 : i32 to index
        %get3A_424 = arith.constant 480 : index
        %get3A_425 = tpu.vector_load %arg6[%get3A_423, %get3A_424] {strides = array<i32>} : memref<200x512xf32, #tpu.memory_space<vmem>>, vector<1x16xf32>,
        %get3A_426 = vector.shape_cast %get3A_425 : vector<1x16xf32> to vector<16xf32>
        %mul3A_427 = arith.constant 22.6274166 : f32
        %mul3A_428 = vector.broadcast %mul3A_427 : f32 to vector<16xf32>
        %mul3A_429 = arith.mulf %get3A_426, %mul3A_428 : vector<16xf32>
        %swap3A_430 = arith.index_cast %scan3A_63 : i32 to index
        %swap3A_431 = arith.constant 480 : index
        %swap3A_432 = tpu.vector_load %arg6[%swap3A_430, %swap3A_431] {strides = array<i32>} : memref<200x512xf32, #tpu.memory_space<vmem>>, vector<1x16xf32>,
        %swap3A_433 = vector.shape_cast %swap3A_432 : vector<1x16xf32> to vector<16xf32>
        %swap3A_434 = vector.shape_cast %mul3A_429 : vector<16xf32> to vector<1x16xf32>
        tpu.vector_store %arg6[%swap3A_430, %swap3A_431], %swap3A_434 {strides = array<i32>} : memref<200x512xf32, #tpu.memory_space<vmem>>, vector<1x16xf32>,
        %get3A_435 = arith.index_cast %scan3A_63 : i32 to index
        %get3A_436 = arith.constant 496 : index
        %get3A_437 = tpu.vector_load %arg6[%get3A_435, %get3A_436] {strides = array<i32>} : memref<200x512xf32, #tpu.memory_space<vmem>>, vector<1x16xf32>,
        %get3A_438 = vector.shape_cast %get3A_437 : vector<1x16xf32> to vector<16xf32>
        %mul3A_439 = arith.constant 22.6274166 : f32
        %mul3A_440 = vector.broadcast %mul3A_439 : f32 to vector<16xf32>
        %mul3A_441 = arith.mulf %get3A_438, %mul3A_440 : vector<16xf32>
        %swap3A_442 = arith.index_cast %scan3A_63 : i32 to index
        %swap3A_443 = arith.constant 496 : index
        %swap3A_444 = tpu.vector_load %arg6[%swap3A_442, %swap3A_443] {strides = array<i32>} : memref<200x512xf32, #tpu.memory_space<vmem>>, vector<1x16xf32>,
        %swap3A_445 = vector.shape_cast %swap3A_444 : vector<1x16xf32> to vector<16xf32>
        %swap3A_446 = vector.shape_cast %mul3A_441 : vector<16xf32> to vector<1x16xf32>
        tpu.vector_store %arg6[%swap3A_442, %swap3A_443], %swap3A_446 {strides = array<i32>} : memref<200x512xf32, #tpu.memory_space<vmem>>, vector<1x16xf32>,
        %scan3A_447 = arith.constant 0 : i32
        scf.yield %scan3A_447 : i32
      }
      %scan3A_57 = arith.constant 200 : i32
      %mul3A_58 = arith.constant 25 : i32
      %mul3A_59 = arith.muli %select_n3A_41, %mul3A_58 : i32
      %mul3A_60 = arith.constant 8 : i32
      %mul3A_61 = arith.muli %add3A_27, %mul3A_60 : i32
      "tpu.region"() ({
        %run_scoped3A = tpu.sem_alloc : memref<!tpu.dma_semaphore, #tpu.memory_space<semaphore_mem>>
        %dma_start3A_63 = tpu.memref_reshape %arg6 : memref<200x512xf32, #tpu.memory_space<vmem>> -> memref<25x8x512xf32, #tpu.memory_space<vmem>>
        %dma_start3A_64 = arith.constant 0 : i32
        %dma_start3A_65 = tpu.memref_slice %arg4[%mul3A_59, %mul3A_61, %dma_start3A_64] : memref<250x1024x512xf32, #tpu.memory_space<hbm>> -> memref<25x8x512xf32, #tpu.memory_space<hbm>>
        %dma_start3A_66 = arith.constant 0 : i32
        %dma_start3A_67 = tpu.memref_slice %arg4[%mul3A_59, %mul3A_61, %dma_start3A_66] : memref<250x1024x512xf32, #tpu.memory_space<hbm>> -> memref<25x8x512xf32, #tpu.memory_space<hbm>>
        %dma_start3A_68 = tpu.memref_reshape %arg6 : memref<200x512xf32, #tpu.memory_space<vmem>> -> memref<25x8x512xf32, #tpu.memory_space<vmem>>
        tpu.enqueue_dma source(%dma_start3A_68 : memref<25x8x512xf32, #tpu.memory_space<vmem>>) target(%dma_start3A_67 : memref<25x8x512xf32, #tpu.memory_space<hbm>>) target_semaphore(%run_scoped3A : memref<!tpu.dma_semaphore, #tpu.memory_space<semaphore_mem>>)
        %dma_wait3A_69 = tpu.memref_reshape %arg6 : memref<200x512xf32, #tpu.memory_space<vmem>> -> memref<25x8x512xf32, #tpu.memory_space<vmem>>
        %dma_wait3A_70 = arith.constant 0 : i32
        %dma_wait3A_71 = tpu.memref_slice %arg4[%mul3A_59, %mul3A_61, %dma_wait3A_70] : memref<250x1024x512xf32, #tpu.memory_space<hbm>> -> memref<25x8x512xf32, #tpu.memory_space<hbm>>
        %dma_wait3A_72 = arith.constant 0 : i32
        %dma_wait3A_73 = tpu.memref_slice %arg4[%mul3A_59, %mul3A_61, %dma_wait3A_72] : memref<250x1024x512xf32, #tpu.memory_space<hbm>> -> memref<25x8x512xf32, #tpu.memory_space<hbm>>
        %dma_wait3A_74 = tpu.memref_reshape %arg6 : memref<200x512xf32, #tpu.memory_space<vmem>> -> memref<25x8x512xf32, #tpu.memory_space<vmem>>
        tpu.wait_dma2 semaphore(%run_scoped3A : memref<!tpu.dma_semaphore, #tpu.memory_space<semaphore_mem>>) src(%dma_wait3A_74 : memref<25x8x512xf32, #tpu.memory_space<vmem>>) dst(%dma_wait3A_73 : memref<25x8x512xf32, #tpu.memory_space<hbm>>)
        tpu.yield
      }) : () -> ()
      %scan3A_62 = arith.constant 0 : i32
      scf.yield %scan3A_62 : i32
    }
    %scan3A_6 = arith.constant 8 : i32
    return
  }
}

module attributes {stable_mosaic.version = 14 : i64} {
  func.func @body(%arg0: i32, %arg1: memref<250x1024x512xf32, #tpu.memory_space<any>>, %arg2: memref<1024x200x512xf32, #tpu.memory_space<any>>, %arg3: memref<512x512xf32, #tpu.memory_space<vmem>>, %arg4: memref<1x512xf32, #tpu.memory_space<vmem>>, %arg5: memref<250x1024x512xf32, #tpu.memory_space<any>>, %arg6: memref<256x8x512xf32, #tpu.memory_space<vmem>>, %arg7: memref<256x8x512xf32, #tpu.memory_space<vmem>>, %arg8: memref<256x8x512xf32, #tpu.memory_space<vmem>>, %arg9: memref<8x256x512xf32, #tpu.memory_space<vmem>>, %arg10: memref<8x256x512xf32, #tpu.memory_space<vmem>>, %arg11: memref<!tpu.dma_semaphore, #tpu.memory_space<semaphore_mem>>, %arg12: memref<!tpu.dma_semaphore, #tpu.memory_space<semaphore_mem>>, %arg13: memref<!tpu.dma_semaphore, #tpu.memory_space<semaphore_mem>>, %arg14: memref<!tpu.dma_semaphore, #tpu.memory_space<semaphore_mem>>, %arg15: memref<!tpu.dma_semaphore, #tpu.memory_space<semaphore_mem>>) attributes {dimension_semantics = [#tpu.dimension_semantics<arbitrary>], iteration_bounds = array<i64: 100>, scalar_prefetch = 0 : i64, scratch_operands = 10 : i64, tpu.core_type = #tpu.core_type<tc>, window_params = [{}, {}, {pipeline_mode = #tpu.pipeline_mode<synchronous>, transform_indices = @transform_2, window_bounds = array<i64: 512, 512>}, {pipeline_mode = #tpu.pipeline_mode<synchronous>, transform_indices = @transform_3, window_bounds = array<i64: 1, 512>}, {}]} {
    %jit3A = arith.constant 25 : i32
    %div3A = arith.divsi %arg0, %jit3A : i32
    %sign3A = arith.constant 0 : i32
    %sign3A_0 = arith.cmpi sgt, %arg0, %sign3A : i32
    %sign3A_1 = arith.extui %sign3A_0 : i1 to i32
    %sign3A_2 = arith.constant 0 : i32
    %sign3A_3 = arith.cmpi slt, %arg0, %sign3A_2 : i32
    %sign3A_4 = arith.extui %sign3A_3 : i1 to i32
    %sign3A_5 = arith.subi %sign3A_1, %sign3A_4 : i32
    %sign3A_6 = arith.constant 0 : i32
    %sign3A_7 = arith.cmpi sgt, %jit3A, %sign3A_6 : i32
    %sign3A_8 = arith.extui %sign3A_7 : i1 to i32
    %sign3A_9 = arith.constant 0 : i32
    %sign3A_10 = arith.cmpi slt, %jit3A, %sign3A_9 : i32
    %sign3A_11 = arith.extui %sign3A_10 : i1 to i32
    %sign3A_12 = arith.subi %sign3A_8, %sign3A_11 : i32
    %ne3A = arith.cmpi ne, %sign3A_5, %sign3A_12 : i32
    %rem3A = arith.remsi %arg0, %jit3A : i32
    %ne3A_13 = arith.constant 0 : i32
    %ne3A_14 = arith.cmpi ne, %rem3A, %ne3A_13 : i32
    %and3A = arith.andi %ne3A, %ne3A_14 : i1
    %sub3A = arith.constant 1 : i32
    %sub3A_15 = arith.subi %div3A, %sub3A : i32
    %select_n3A = arith.select %and3A, %sub3A_15, %div3A : i32
    %jit3A_16 = arith.constant 25 : i32
    %eq3A = arith.constant 0 : i32
    %eq3A_17 = arith.cmpi eq, %jit3A_16, %eq3A : i32
    %jit3A_18 = arith.constant 1 : i32
    %select_n3A_19 = arith.select %eq3A_17, %jit3A_18, %jit3A_16 : i32
    %rem3A_20 = arith.remsi %arg0, %select_n3A_19 : i32
    %ne3A_21 = arith.constant 0 : i32
    %ne3A_22 = arith.cmpi ne, %rem3A_20, %ne3A_21 : i32
    %lt3A = arith.constant 0 : i32
    %lt3A_23 = arith.cmpi slt, %rem3A_20, %lt3A : i32
    %lt3A_24 = arith.constant 0 : i32
    %lt3A_25 = arith.cmpi slt, %select_n3A_19, %lt3A_24 : i32
    %ne3A_26 = arith.xori %lt3A_23, %lt3A_25 : i1
    %and3A_27 = arith.andi %ne3A_26, %ne3A_22 : i1
    %add3A = arith.addi %rem3A_20, %select_n3A_19 : i32
    %select_n3A_28 = arith.select %and3A_27, %add3A, %rem3A_20 : i32
    %eq3A_29 = arith.constant 0 : i32
    %eq3A_30 = arith.cmpi eq, %arg0, %eq3A_29 : i32
    %convert_element_type3A = arith.extui %eq3A_30 : i1 to i32
    %cond3A = arith.constant 0 : i32
    %cond3A_31 = arith.cmpi ne, %convert_element_type3A, %cond3A : i32
    scf.if %cond3A_31 {
      %add3A_84 = arith.constant 0 : i32
      %add3A_85 = arith.addi %arg0, %add3A_84 : i32
      %jit3A_86 = arith.constant 25 : i32
      %div3A_87 = arith.divsi %add3A_85, %jit3A_86 : i32
      %sign3A_88 = arith.constant 0 : i32
      %sign3A_89 = arith.cmpi sgt, %add3A_85, %sign3A_88 : i32
      %sign3A_90 = arith.extui %sign3A_89 : i1 to i32
      %sign3A_91 = arith.constant 0 : i32
      %sign3A_92 = arith.cmpi slt, %add3A_85, %sign3A_91 : i32
      %sign3A_93 = arith.extui %sign3A_92 : i1 to i32
      %sign3A_94 = arith.subi %sign3A_90, %sign3A_93 : i32
      %sign3A_95 = arith.constant 0 : i32
      %sign3A_96 = arith.cmpi sgt, %jit3A_86, %sign3A_95 : i32
      %sign3A_97 = arith.extui %sign3A_96 : i1 to i32
      %sign3A_98 = arith.constant 0 : i32
      %sign3A_99 = arith.cmpi slt, %jit3A_86, %sign3A_98 : i32
      %sign3A_100 = arith.extui %sign3A_99 : i1 to i32
      %sign3A_101 = arith.subi %sign3A_97, %sign3A_100 : i32
      %ne3A_102 = arith.cmpi ne, %sign3A_94, %sign3A_101 : i32
      %rem3A_103 = arith.remsi %add3A_85, %jit3A_86 : i32
      %ne3A_104 = arith.constant 0 : i32
      %ne3A_105 = arith.cmpi ne, %rem3A_103, %ne3A_104 : i32
      %and3A_106 = arith.andi %ne3A_102, %ne3A_105 : i1
      %sub3A_107 = arith.constant 1 : i32
      %sub3A_108 = arith.subi %div3A_87, %sub3A_107 : i32
      %select_n3A_109 = arith.select %and3A_106, %sub3A_108, %div3A_87 : i32
      %mul3A = arith.constant 256 : i32
      %mul3A_110 = arith.muli %select_n3A_109, %mul3A : i32
      %jit3A_111 = arith.constant 25 : i32
      %eq3A_112 = arith.constant 0 : i32
      %eq3A_113 = arith.cmpi eq, %jit3A_111, %eq3A_112 : i32
      %jit3A_114 = arith.constant 1 : i32
      %select_n3A_115 = arith.select %eq3A_113, %jit3A_114, %jit3A_111 : i32
      %rem3A_116 = arith.remsi %add3A_85, %select_n3A_115 : i32
      %ne3A_117 = arith.constant 0 : i32
      %ne3A_118 = arith.cmpi ne, %rem3A_116, %ne3A_117 : i32
      %lt3A_119 = arith.constant 0 : i32
      %lt3A_120 = arith.cmpi slt, %rem3A_116, %lt3A_119 : i32
      %lt3A_121 = arith.constant 0 : i32
      %lt3A_122 = arith.cmpi slt, %select_n3A_115, %lt3A_121 : i32
      %ne3A_123 = arith.xori %lt3A_120, %lt3A_122 : i1
      %and3A_124 = arith.andi %ne3A_123, %ne3A_118 : i1
      %add3A_125 = arith.addi %rem3A_116, %select_n3A_115 : i32
      %select_n3A_126 = arith.select %and3A_124, %add3A_125, %rem3A_116 : i32
      %mul3A_127 = arith.constant 8 : i32
      %mul3A_128 = arith.muli %select_n3A_126, %mul3A_127 : i32
      %dma_start3A = arith.constant 0 : i32
      %dma_start3A_129 = tpu.memref_slice %arg2[%mul3A_110, %mul3A_128, %dma_start3A] : memref<1024x200x512xf32, #tpu.memory_space<any>> -> memref<256x8x512xf32, #tpu.memory_space<any>>
      tpu.enqueue_dma source(%dma_start3A_129 : memref<256x8x512xf32, #tpu.memory_space<any>>) target(%arg6 : memref<256x8x512xf32, #tpu.memory_space<vmem>>) target_semaphore(%arg11 : memref<!tpu.dma_semaphore, #tpu.memory_space<semaphore_mem>>)
      %add3A_130 = arith.constant 1 : i32
      %add3A_131 = arith.addi %arg0, %add3A_130 : i32
      %jit3A_132 = arith.constant 25 : i32
      %div3A_133 = arith.divsi %add3A_131, %jit3A_132 : i32
      %sign3A_134 = arith.constant 0 : i32
      %sign3A_135 = arith.cmpi sgt, %add3A_131, %sign3A_134 : i32
      %sign3A_136 = arith.extui %sign3A_135 : i1 to i32
      %sign3A_137 = arith.constant 0 : i32
      %sign3A_138 = arith.cmpi slt, %add3A_131, %sign3A_137 : i32
      %sign3A_139 = arith.extui %sign3A_138 : i1 to i32
      %sign3A_140 = arith.subi %sign3A_136, %sign3A_139 : i32
      %sign3A_141 = arith.constant 0 : i32
      %sign3A_142 = arith.cmpi sgt, %jit3A_132, %sign3A_141 : i32
      %sign3A_143 = arith.extui %sign3A_142 : i1 to i32
      %sign3A_144 = arith.constant 0 : i32
      %sign3A_145 = arith.cmpi slt, %jit3A_132, %sign3A_144 : i32
      %sign3A_146 = arith.extui %sign3A_145 : i1 to i32
      %sign3A_147 = arith.subi %sign3A_143, %sign3A_146 : i32
      %ne3A_148 = arith.cmpi ne, %sign3A_140, %sign3A_147 : i32
      %rem3A_149 = arith.remsi %add3A_131, %jit3A_132 : i32
      %ne3A_150 = arith.constant 0 : i32
      %ne3A_151 = arith.cmpi ne, %rem3A_149, %ne3A_150 : i32
      %and3A_152 = arith.andi %ne3A_148, %ne3A_151 : i1
      %sub3A_153 = arith.constant 1 : i32
      %sub3A_154 = arith.subi %div3A_133, %sub3A_153 : i32
      %select_n3A_155 = arith.select %and3A_152, %sub3A_154, %div3A_133 : i32
      %mul3A_156 = arith.constant 256 : i32
      %mul3A_157 = arith.muli %select_n3A_155, %mul3A_156 : i32
      %jit3A_158 = arith.constant 25 : i32
      %eq3A_159 = arith.constant 0 : i32
      %eq3A_160 = arith.cmpi eq, %jit3A_158, %eq3A_159 : i32
      %jit3A_161 = arith.constant 1 : i32
      %select_n3A_162 = arith.select %eq3A_160, %jit3A_161, %jit3A_158 : i32
      %rem3A_163 = arith.remsi %add3A_131, %select_n3A_162 : i32
      %ne3A_164 = arith.constant 0 : i32
      %ne3A_165 = arith.cmpi ne, %rem3A_163, %ne3A_164 : i32
      %lt3A_166 = arith.constant 0 : i32
      %lt3A_167 = arith.cmpi slt, %rem3A_163, %lt3A_166 : i32
      %lt3A_168 = arith.constant 0 : i32
      %lt3A_169 = arith.cmpi slt, %select_n3A_162, %lt3A_168 : i32
      %ne3A_170 = arith.xori %lt3A_167, %lt3A_169 : i1
      %and3A_171 = arith.andi %ne3A_170, %ne3A_165 : i1
      %add3A_172 = arith.addi %rem3A_163, %select_n3A_162 : i32
      %select_n3A_173 = arith.select %and3A_171, %add3A_172, %rem3A_163 : i32
      %mul3A_174 = arith.constant 8 : i32
      %mul3A_175 = arith.muli %select_n3A_173, %mul3A_174 : i32
      %dma_start3A_176 = arith.constant 0 : i32
      %dma_start3A_177 = tpu.memref_slice %arg2[%mul3A_157, %mul3A_175, %dma_start3A_176] : memref<1024x200x512xf32, #tpu.memory_space<any>> -> memref<256x8x512xf32, #tpu.memory_space<any>>
      tpu.enqueue_dma source(%dma_start3A_177 : memref<256x8x512xf32, #tpu.memory_space<any>>) target(%arg7 : memref<256x8x512xf32, #tpu.memory_space<vmem>>) target_semaphore(%arg12 : memref<!tpu.dma_semaphore, #tpu.memory_space<semaphore_mem>>)
    } else {
    }
    %jit3A_32 = arith.constant 3 : i32
    %eq3A_33 = arith.constant 0 : i32
    %eq3A_34 = arith.cmpi eq, %jit3A_32, %eq3A_33 : i32
    %jit3A_35 = arith.constant 1 : i32
    %select_n3A_36 = arith.select %eq3A_34, %jit3A_35, %jit3A_32 : i32
    %rem3A_37 = arith.remsi %arg0, %select_n3A_36 : i32
    %ne3A_38 = arith.constant 0 : i32
    %ne3A_39 = arith.cmpi ne, %rem3A_37, %ne3A_38 : i32
    %lt3A_40 = arith.constant 0 : i32
    %lt3A_41 = arith.cmpi slt, %rem3A_37, %lt3A_40 : i32
    %lt3A_42 = arith.constant 0 : i32
    %lt3A_43 = arith.cmpi slt, %select_n3A_36, %lt3A_42 : i32
    %ne3A_44 = arith.xori %lt3A_41, %lt3A_43 : i1
    %and3A_45 = arith.andi %ne3A_44, %ne3A_39 : i1
    %add3A_46 = arith.addi %rem3A_37, %select_n3A_36 : i32
    %select_n3A_47 = arith.select %and3A_45, %add3A_46, %rem3A_37 : i32
    %jit3A_48 = arith.constant 2 : i32
    %eq3A_49 = arith.constant 0 : i32
    %eq3A_50 = arith.cmpi eq, %jit3A_48, %eq3A_49 : i32
    %jit3A_51 = arith.constant 1 : i32
    %select_n3A_52 = arith.select %eq3A_50, %jit3A_51, %jit3A_48 : i32
    %rem3A_53 = arith.remsi %arg0, %select_n3A_52 : i32
    %ne3A_54 = arith.constant 0 : i32
    %ne3A_55 = arith.cmpi ne, %rem3A_53, %ne3A_54 : i32
    %lt3A_56 = arith.constant 0 : i32
    %lt3A_57 = arith.cmpi slt, %rem3A_53, %lt3A_56 : i32
    %lt3A_58 = arith.constant 0 : i32
    %lt3A_59 = arith.cmpi slt, %select_n3A_52, %lt3A_58 : i32
    %ne3A_60 = arith.xori %lt3A_57, %lt3A_59 : i1
    %and3A_61 = arith.andi %ne3A_60, %ne3A_55 : i1
    %add3A_62 = arith.addi %rem3A_53, %select_n3A_52 : i32
    %select_n3A_63 = arith.select %and3A_61, %add3A_62, %rem3A_53 : i32
    %eq3A_64 = arith.constant 0 : i32
    %eq3A_65 = arith.cmpi eq, %select_n3A_47, %eq3A_64 : i32
    %convert_element_type3A_66 = arith.extui %eq3A_65 : i1 to i32
    %cond3A_67 = arith.constant 0 : i32
    %cond3A_68 = arith.cmpi ne, %convert_element_type3A_66, %cond3A_67 : i32
    scf.if %cond3A_68 {
      %dma_wait3A = arith.constant 0 : i32
      %dma_wait3A_84 = arith.constant 0 : i32
      %dma_wait3A_85 = arith.constant 0 : i32
      %dma_wait3A_86 = tpu.memref_slice %arg2[%dma_wait3A, %dma_wait3A_84, %dma_wait3A_85] : memref<1024x200x512xf32, #tpu.memory_space<any>> -> memref<256x8x512xf32, #tpu.memory_space<any>>
      tpu.wait_dma2 semaphore(%arg11 : memref<!tpu.dma_semaphore, #tpu.memory_space<semaphore_mem>>) src(%dma_wait3A_86 : memref<256x8x512xf32, #tpu.memory_space<any>>) dst(%arg6 : memref<256x8x512xf32, #tpu.memory_space<vmem>>)
      %add3A_87 = arith.constant 3 : i32
      %add3A_88 = arith.addi %arg0, %add3A_87 : i32
      %sub3A_89 = arith.constant 1 : i32
      %sub3A_90 = arith.subi %add3A_88, %sub3A_89 : i32
      %lt3A_91 = arith.constant 100 : i32
      %lt3A_92 = arith.cmpi slt, %sub3A_90, %lt3A_91 : i32
      %convert_element_type3A_93 = arith.extui %lt3A_92 : i1 to i32
      %cond3A_94 = arith.constant 0 : i32
      %cond3A_95 = arith.cmpi ne, %convert_element_type3A_93, %cond3A_94 : i32
      scf.if %cond3A_95 {
        %add3A_119 = arith.constant 3 : i32
        %add3A_120 = arith.addi %arg0, %add3A_119 : i32
        %sub3A_121 = arith.constant 1 : i32
        %sub3A_122 = arith.subi %add3A_120, %sub3A_121 : i32
        %jit3A_123 = arith.constant 25 : i32
        %div3A_124 = arith.divsi %sub3A_122, %jit3A_123 : i32
        %sign3A_125 = arith.constant 0 : i32
        %sign3A_126 = arith.cmpi sgt, %sub3A_122, %sign3A_125 : i32
        %sign3A_127 = arith.extui %sign3A_126 : i1 to i32
        %sign3A_128 = arith.constant 0 : i32
        %sign3A_129 = arith.cmpi slt, %sub3A_122, %sign3A_128 : i32
        %sign3A_130 = arith.extui %sign3A_129 : i1 to i32
        %sign3A_131 = arith.subi %sign3A_127, %sign3A_130 : i32
        %sign3A_132 = arith.constant 0 : i32
        %sign3A_133 = arith.cmpi sgt, %jit3A_123, %sign3A_132 : i32
        %sign3A_134 = arith.extui %sign3A_133 : i1 to i32
        %sign3A_135 = arith.constant 0 : i32
        %sign3A_136 = arith.cmpi slt, %jit3A_123, %sign3A_135 : i32
        %sign3A_137 = arith.extui %sign3A_136 : i1 to i32
        %sign3A_138 = arith.subi %sign3A_134, %sign3A_137 : i32
        %ne3A_139 = arith.cmpi ne, %sign3A_131, %sign3A_138 : i32
        %rem3A_140 = arith.remsi %sub3A_122, %jit3A_123 : i32
        %ne3A_141 = arith.constant 0 : i32
        %ne3A_142 = arith.cmpi ne, %rem3A_140, %ne3A_141 : i32
        %and3A_143 = arith.andi %ne3A_139, %ne3A_142 : i1
        %sub3A_144 = arith.constant 1 : i32
        %sub3A_145 = arith.subi %div3A_124, %sub3A_144 : i32
        %select_n3A_146 = arith.select %and3A_143, %sub3A_145, %div3A_124 : i32
        %mul3A = arith.constant 256 : i32
        %mul3A_147 = arith.muli %select_n3A_146, %mul3A : i32
        %jit3A_148 = arith.constant 25 : i32
        %eq3A_149 = arith.constant 0 : i32
        %eq3A_150 = arith.cmpi eq, %jit3A_148, %eq3A_149 : i32
        %jit3A_151 = arith.constant 1 : i32
        %select_n3A_152 = arith.select %eq3A_150, %jit3A_151, %jit3A_148 : i32
        %rem3A_153 = arith.remsi %sub3A_122, %select_n3A_152 : i32
        %ne3A_154 = arith.constant 0 : i32
        %ne3A_155 = arith.cmpi ne, %rem3A_153, %ne3A_154 : i32
        %lt3A_156 = arith.constant 0 : i32
        %lt3A_157 = arith.cmpi slt, %rem3A_153, %lt3A_156 : i32
        %lt3A_158 = arith.constant 0 : i32
        %lt3A_159 = arith.cmpi slt, %select_n3A_152, %lt3A_158 : i32
        %ne3A_160 = arith.xori %lt3A_157, %lt3A_159 : i1
        %and3A_161 = arith.andi %ne3A_160, %ne3A_155 : i1
        %add3A_162 = arith.addi %rem3A_153, %select_n3A_152 : i32
        %select_n3A_163 = arith.select %and3A_161, %add3A_162, %rem3A_153 : i32
        %mul3A_164 = arith.constant 8 : i32
        %mul3A_165 = arith.muli %select_n3A_163, %mul3A_164 : i32
        %dma_start3A = arith.constant 0 : i32
        %dma_start3A_166 = tpu.memref_slice %arg2[%mul3A_147, %mul3A_165, %dma_start3A] : memref<1024x200x512xf32, #tpu.memory_space<any>> -> memref<256x8x512xf32, #tpu.memory_space<any>>
        tpu.enqueue_dma source(%dma_start3A_166 : memref<256x8x512xf32, #tpu.memory_space<any>>) target(%arg8 : memref<256x8x512xf32, #tpu.memory_space<vmem>>) target_semaphore(%arg13 : memref<!tpu.dma_semaphore, #tpu.memory_space<semaphore_mem>>)
      } else {
      }
      %get3A = arith.constant 0 : index
      %get3A_96 = arith.constant 0 : index
      %get3A_97 = arith.constant 0 : index
      %get3A_98 = vector.load %arg6[%get3A, %get3A_96, %get3A_97] : memref<256x8x512xf32, #tpu.memory_space<vmem>>, vector<256x8x512xf32>
      %reshape3A = vector.shape_cast %get3A_98 : vector<256x8x512xf32> to vector<2048x512xf32>
      %get3A_99 = arith.constant 0 : index
      %get3A_100 = arith.constant 0 : index
      %get3A_101 = vector.load %arg3[%get3A_99, %get3A_100] : memref<512x512xf32, #tpu.memory_space<vmem>>, vector<512x512xf32>
      %dot_general3A = arith.constant dense<0.000000e+00> : vector<2048x512xf32>
      %dot_general3A_102 = tpu.matmul %reshape3A, %get3A_101, %dot_general3A {dimension_numbers = #tpu.dot_dimension_numbers<[1], [0], [0], [1], [0, 0, 1, 1], [], []>, transpose_lhs_hint = false} : vector<2048x512xf32>, vector<512x512xf32>, vector<2048x512xf32> -> vector<2048x512xf32>
      %get3A_103 = arith.constant 0 : index
      %get3A_104 = arith.constant 0 : index
      %get3A_105 = vector.load %arg4[%get3A_103, %get3A_104] : memref<1x512xf32, #tpu.memory_space<vmem>>, vector<1x512xf32>
      %add3A_106 = vector.broadcast %get3A_105 : vector<1x512xf32> to vector<2048x512xf32>
      %add3A_107 = arith.addf %dot_general3A_102, %add3A_106 : vector<2048x512xf32>
      %reshape3A_108 = vector.shape_cast %add3A_107 : vector<2048x512xf32> to vector<256x8x512xf32>
      %eq3A_109 = arith.constant 0 : i32
      %eq3A_110 = arith.cmpi eq, %select_n3A_63, %eq3A_109 : i32
      %convert_element_type3A_111 = arith.extui %eq3A_110 : i1 to i32
      %cond3A_112 = arith.constant 0 : i32
      %cond3A_113 = arith.cmpi ne, %convert_element_type3A_111, %cond3A_112 : i32
      scf.if %cond3A_113 {
        %ge3A = arith.constant 2 : i32
        %ge3A_119 = arith.cmpi sge, %arg0, %ge3A : i32
        %convert_element_type3A_120 = arith.extui %ge3A_119 : i1 to i32
        %cond3A_121 = arith.constant 0 : i32
        %cond3A_122 = arith.cmpi ne, %convert_element_type3A_120, %cond3A_121 : i32
        scf.if %cond3A_122 {
          %dma_wait3A_190 = arith.constant 0 : i32
          %dma_wait3A_191 = arith.constant 0 : i32
          %dma_wait3A_192 = arith.constant 0 : i32
          %dma_wait3A_193 = tpu.memref_slice %arg5[%dma_wait3A_190, %dma_wait3A_191, %dma_wait3A_192] : memref<250x1024x512xf32, #tpu.memory_space<any>> -> memref<8x256x512xf32, #tpu.memory_space<any>>
          tpu.wait_dma2 semaphore(%arg14 : memref<!tpu.dma_semaphore, #tpu.memory_space<semaphore_mem>>) src(%arg9 : memref<8x256x512xf32, #tpu.memory_space<vmem>>) dst(%dma_wait3A_193 : memref<8x256x512xf32, #tpu.memory_space<any>>)
        } else {
        }
        %slice3A = vector.extract_strided_slice %reshape3A_108 {offsets = [0, 0, 0], sizes = [256, 1, 512], strides = [1, 1, 1]} : vector<256x8x512xf32> to vector<256x1x512xf32>
        %squeeze3A = vector.shape_cast %slice3A : vector<256x1x512xf32> to vector<256x512xf32>
        %swap3A = arith.constant 0 : index
        %swap3A_123 = arith.constant 0 : index
        %swap3A_124 = arith.constant 0 : index
        %swap3A_125 = vector.load %arg9[%swap3A, %swap3A_123, %swap3A_124] : memref<8x256x512xf32, #tpu.memory_space<vmem>>, vector<1x256x512xf32>
        %swap3A_126 = vector.shape_cast %swap3A_125 : vector<1x256x512xf32> to vector<256x512xf32>
        %swap3A_127 = vector.shape_cast %squeeze3A : vector<256x512xf32> to vector<1x256x512xf32>
        tpu.vector_store %arg9[%swap3A, %swap3A_123, %swap3A_124], %swap3A_127 {strides = array<i32>} : memref<8x256x512xf32, #tpu.memory_space<vmem>>, vector<1x256x512xf32>,
        %slice3A_128 = vector.extract_strided_slice %reshape3A_108 {offsets = [0, 1, 0], sizes = [256, 1, 512], strides = [1, 1, 1]} : vector<256x8x512xf32> to vector<256x1x512xf32>
        %squeeze3A_129 = vector.shape_cast %slice3A_128 : vector<256x1x512xf32> to vector<256x512xf32>
        %swap3A_130 = arith.constant 1 : index
        %swap3A_131 = arith.constant 0 : index
        %swap3A_132 = arith.constant 0 : index
        %swap3A_133 = vector.load %arg9[%swap3A_130, %swap3A_131, %swap3A_132] : memref<8x256x512xf32, #tpu.memory_space<vmem>>, vector<1x256x512xf32>
        %swap3A_134 = vector.shape_cast %swap3A_133 : vector<1x256x512xf32> to vector<256x512xf32>
        %swap3A_135 = vector.shape_cast %squeeze3A_129 : vector<256x512xf32> to vector<1x256x512xf32>
        tpu.vector_store %arg9[%swap3A_130, %swap3A_131, %swap3A_132], %swap3A_135 {strides = array<i32>} : memref<8x256x512xf32, #tpu.memory_space<vmem>>, vector<1x256x512xf32>,
        %slice3A_136 = vector.extract_strided_slice %reshape3A_108 {offsets = [0, 2, 0], sizes = [256, 1, 512], strides = [1, 1, 1]} : vector<256x8x512xf32> to vector<256x1x512xf32>
        %squeeze3A_137 = vector.shape_cast %slice3A_136 : vector<256x1x512xf32> to vector<256x512xf32>
        %swap3A_138 = arith.constant 2 : index
        %swap3A_139 = arith.constant 0 : index
        %swap3A_140 = arith.constant 0 : index
        %swap3A_141 = vector.load %arg9[%swap3A_138, %swap3A_139, %swap3A_140] : memref<8x256x512xf32, #tpu.memory_space<vmem>>, vector<1x256x512xf32>
        %swap3A_142 = vector.shape_cast %swap3A_141 : vector<1x256x512xf32> to vector<256x512xf32>
        %swap3A_143 = vector.shape_cast %squeeze3A_137 : vector<256x512xf32> to vector<1x256x512xf32>
        tpu.vector_store %arg9[%swap3A_138, %swap3A_139, %swap3A_140], %swap3A_143 {strides = array<i32>} : memref<8x256x512xf32, #tpu.memory_space<vmem>>, vector<1x256x512xf32>,
        %slice3A_144 = vector.extract_strided_slice %reshape3A_108 {offsets = [0, 3, 0], sizes = [256, 1, 512], strides = [1, 1, 1]} : vector<256x8x512xf32> to vector<256x1x512xf32>
        %squeeze3A_145 = vector.shape_cast %slice3A_144 : vector<256x1x512xf32> to vector<256x512xf32>
        %swap3A_146 = arith.constant 3 : index
        %swap3A_147 = arith.constant 0 : index
        %swap3A_148 = arith.constant 0 : index
        %swap3A_149 = vector.load %arg9[%swap3A_146, %swap3A_147, %swap3A_148] : memref<8x256x512xf32, #tpu.memory_space<vmem>>, vector<1x256x512xf32>
        %swap3A_150 = vector.shape_cast %swap3A_149 : vector<1x256x512xf32> to vector<256x512xf32>
        %swap3A_151 = vector.shape_cast %squeeze3A_145 : vector<256x512xf32> to vector<1x256x512xf32>
        tpu.vector_store %arg9[%swap3A_146, %swap3A_147, %swap3A_148], %swap3A_151 {strides = array<i32>} : memref<8x256x512xf32, #tpu.memory_space<vmem>>, vector<1x256x512xf32>,
        %slice3A_152 = vector.extract_strided_slice %reshape3A_108 {offsets = [0, 4, 0], sizes = [256, 1, 512], strides = [1, 1, 1]} : vector<256x8x512xf32> to vector<256x1x512xf32>
        %squeeze3A_153 = vector.shape_cast %slice3A_152 : vector<256x1x512xf32> to vector<256x512xf32>
        %swap3A_154 = arith.constant 4 : index
        %swap3A_155 = arith.constant 0 : index
        %swap3A_156 = arith.constant 0 : index
        %swap3A_157 = vector.load %arg9[%swap3A_154, %swap3A_155, %swap3A_156] : memref<8x256x512xf32, #tpu.memory_space<vmem>>, vector<1x256x512xf32>
        %swap3A_158 = vector.shape_cast %swap3A_157 : vector<1x256x512xf32> to vector<256x512xf32>
        %swap3A_159 = vector.shape_cast %squeeze3A_153 : vector<256x512xf32> to vector<1x256x512xf32>
        tpu.vector_store %arg9[%swap3A_154, %swap3A_155, %swap3A_156], %swap3A_159 {strides = array<i32>} : memref<8x256x512xf32, #tpu.memory_space<vmem>>, vector<1x256x512xf32>,
        %slice3A_160 = vector.extract_strided_slice %reshape3A_108 {offsets = [0, 5, 0], sizes = [256, 1, 512], strides = [1, 1, 1]} : vector<256x8x512xf32> to vector<256x1x512xf32>
        %squeeze3A_161 = vector.shape_cast %slice3A_160 : vector<256x1x512xf32> to vector<256x512xf32>
        %swap3A_162 = arith.constant 5 : index
        %swap3A_163 = arith.constant 0 : index
        %swap3A_164 = arith.constant 0 : index
        %swap3A_165 = vector.load %arg9[%swap3A_162, %swap3A_163, %swap3A_164] : memref<8x256x512xf32, #tpu.memory_space<vmem>>, vector<1x256x512xf32>
        %swap3A_166 = vector.shape_cast %swap3A_165 : vector<1x256x512xf32> to vector<256x512xf32>
        %swap3A_167 = vector.shape_cast %squeeze3A_161 : vector<256x512xf32> to vector<1x256x512xf32>
        tpu.vector_store %arg9[%swap3A_162, %swap3A_163, %swap3A_164], %swap3A_167 {strides = array<i32>} : memref<8x256x512xf32, #tpu.memory_space<vmem>>, vector<1x256x512xf32>,
        %slice3A_168 = vector.extract_strided_slice %reshape3A_108 {offsets = [0, 6, 0], sizes = [256, 1, 512], strides = [1, 1, 1]} : vector<256x8x512xf32> to vector<256x1x512xf32>
        %squeeze3A_169 = vector.shape_cast %slice3A_168 : vector<256x1x512xf32> to vector<256x512xf32>
        %swap3A_170 = arith.constant 6 : index
        %swap3A_171 = arith.constant 0 : index
        %swap3A_172 = arith.constant 0 : index
        %swap3A_173 = vector.load %arg9[%swap3A_170, %swap3A_171, %swap3A_172] : memref<8x256x512xf32, #tpu.memory_space<vmem>>, vector<1x256x512xf32>
        %swap3A_174 = vector.shape_cast %swap3A_173 : vector<1x256x512xf32> to vector<256x512xf32>
        %swap3A_175 = vector.shape_cast %squeeze3A_169 : vector<256x512xf32> to vector<1x256x512xf32>
        tpu.vector_store %arg9[%swap3A_170, %swap3A_171, %swap3A_172], %swap3A_175 {strides = array<i32>} : memref<8x256x512xf32, #tpu.memory_space<vmem>>, vector<1x256x512xf32>,
        %slice3A_176 = vector.extract_strided_slice %reshape3A_108 {offsets = [0, 7, 0], sizes = [256, 1, 512], strides = [1, 1, 1]} : vector<256x8x512xf32> to vector<256x1x512xf32>
        %squeeze3A_177 = vector.shape_cast %slice3A_176 : vector<256x1x512xf32> to vector<256x512xf32>
        %swap3A_178 = arith.constant 7 : index
        %swap3A_179 = arith.constant 0 : index
        %swap3A_180 = arith.constant 0 : index
        %swap3A_181 = vector.load %arg9[%swap3A_178, %swap3A_179, %swap3A_180] : memref<8x256x512xf32, #tpu.memory_space<vmem>>, vector<1x256x512xf32>
        %swap3A_182 = vector.shape_cast %swap3A_181 : vector<1x256x512xf32> to vector<256x512xf32>
        %swap3A_183 = vector.shape_cast %squeeze3A_177 : vector<256x512xf32> to vector<1x256x512xf32>
        tpu.vector_store %arg9[%swap3A_178, %swap3A_179, %swap3A_180], %swap3A_183 {strides = array<i32>} : memref<8x256x512xf32, #tpu.memory_space<vmem>>, vector<1x256x512xf32>,
        %mul3A = arith.constant 8 : i32
        %mul3A_184 = arith.muli %select_n3A_28, %mul3A : i32
        %add3A_185 = arith.constant 50 : i32
        %add3A_186 = arith.addi %add3A_185, %mul3A_184 : i32
        %mul3A_187 = arith.constant 256 : i32
        %mul3A_188 = arith.muli %select_n3A, %mul3A_187 : i32
        %dma_start3A = arith.constant 0 : i32
        %dma_start3A_189 = tpu.memref_slice %arg5[%add3A_186, %mul3A_188, %dma_start3A] : memref<250x1024x512xf32, #tpu.memory_space<any>> -> memref<8x256x512xf32, #tpu.memory_space<any>>
        tpu.enqueue_dma source(%arg9 : memref<8x256x512xf32, #tpu.memory_space<vmem>>) target(%dma_start3A_189 : memref<8x256x512xf32, #tpu.memory_space<any>>) target_semaphore(%arg14 : memref<!tpu.dma_semaphore, #tpu.memory_space<semaphore_mem>>)
      } else {
      }
      %eq3A_114 = arith.constant 1 : i32
      %eq3A_115 = arith.cmpi eq, %select_n3A_63, %eq3A_114 : i32
      %convert_element_type3A_116 = arith.extui %eq3A_115 : i1 to i32
      %cond3A_117 = arith.constant 0 : i32
      %cond3A_118 = arith.cmpi ne, %convert_element_type3A_116, %cond3A_117 : i32
      scf.if %cond3A_118 {
        %ge3A = arith.constant 2 : i32
        %ge3A_119 = arith.cmpi sge, %arg0, %ge3A : i32
        %convert_element_type3A_120 = arith.extui %ge3A_119 : i1 to i32
        %cond3A_121 = arith.constant 0 : i32
        %cond3A_122 = arith.cmpi ne, %convert_element_type3A_120, %cond3A_121 : i32
        scf.if %cond3A_122 {
          %dma_wait3A_190 = arith.constant 0 : i32
          %dma_wait3A_191 = arith.constant 0 : i32
          %dma_wait3A_192 = arith.constant 0 : i32
          %dma_wait3A_193 = tpu.memref_slice %arg5[%dma_wait3A_190, %dma_wait3A_191, %dma_wait3A_192] : memref<250x1024x512xf32, #tpu.memory_space<any>> -> memref<8x256x512xf32, #tpu.memory_space<any>>
          tpu.wait_dma2 semaphore(%arg15 : memref<!tpu.dma_semaphore, #tpu.memory_space<semaphore_mem>>) src(%arg10 : memref<8x256x512xf32, #tpu.memory_space<vmem>>) dst(%dma_wait3A_193 : memref<8x256x512xf32, #tpu.memory_space<any>>)
        } else {
        }
        %slice3A = vector.extract_strided_slice %reshape3A_108 {offsets = [0, 0, 0], sizes = [256, 1, 512], strides = [1, 1, 1]} : vector<256x8x512xf32> to vector<256x1x512xf32>
        %squeeze3A = vector.shape_cast %slice3A : vector<256x1x512xf32> to vector<256x512xf32>
        %swap3A = arith.constant 0 : index
        %swap3A_123 = arith.constant 0 : index
        %swap3A_124 = arith.constant 0 : index
        %swap3A_125 = vector.load %arg10[%swap3A, %swap3A_123, %swap3A_124] : memref<8x256x512xf32, #tpu.memory_space<vmem>>, vector<1x256x512xf32>
        %swap3A_126 = vector.shape_cast %swap3A_125 : vector<1x256x512xf32> to vector<256x512xf32>
        %swap3A_127 = vector.shape_cast %squeeze3A : vector<256x512xf32> to vector<1x256x512xf32>
        tpu.vector_store %arg10[%swap3A, %swap3A_123, %swap3A_124], %swap3A_127 {strides = array<i32>} : memref<8x256x512xf32, #tpu.memory_space<vmem>>, vector<1x256x512xf32>,
        %slice3A_128 = vector.extract_strided_slice %reshape3A_108 {offsets = [0, 1, 0], sizes = [256, 1, 512], strides = [1, 1, 1]} : vector<256x8x512xf32> to vector<256x1x512xf32>
        %squeeze3A_129 = vector.shape_cast %slice3A_128 : vector<256x1x512xf32> to vector<256x512xf32>
        %swap3A_130 = arith.constant 1 : index
        %swap3A_131 = arith.constant 0 : index
        %swap3A_132 = arith.constant 0 : index
        %swap3A_133 = vector.load %arg10[%swap3A_130, %swap3A_131, %swap3A_132] : memref<8x256x512xf32, #tpu.memory_space<vmem>>, vector<1x256x512xf32>
        %swap3A_134 = vector.shape_cast %swap3A_133 : vector<1x256x512xf32> to vector<256x512xf32>
        %swap3A_135 = vector.shape_cast %squeeze3A_129 : vector<256x512xf32> to vector<1x256x512xf32>
        tpu.vector_store %arg10[%swap3A_130, %swap3A_131, %swap3A_132], %swap3A_135 {strides = array<i32>} : memref<8x256x512xf32, #tpu.memory_space<vmem>>, vector<1x256x512xf32>,
        %slice3A_136 = vector.extract_strided_slice %reshape3A_108 {offsets = [0, 2, 0], sizes = [256, 1, 512], strides = [1, 1, 1]} : vector<256x8x512xf32> to vector<256x1x512xf32>
        %squeeze3A_137 = vector.shape_cast %slice3A_136 : vector<256x1x512xf32> to vector<256x512xf32>
        %swap3A_138 = arith.constant 2 : index
        %swap3A_139 = arith.constant 0 : index
        %swap3A_140 = arith.constant 0 : index
        %swap3A_141 = vector.load %arg10[%swap3A_138, %swap3A_139, %swap3A_140] : memref<8x256x512xf32, #tpu.memory_space<vmem>>, vector<1x256x512xf32>
        %swap3A_142 = vector.shape_cast %swap3A_141 : vector<1x256x512xf32> to vector<256x512xf32>
        %swap3A_143 = vector.shape_cast %squeeze3A_137 : vector<256x512xf32> to vector<1x256x512xf32>
        tpu.vector_store %arg10[%swap3A_138, %swap3A_139, %swap3A_140], %swap3A_143 {strides = array<i32>} : memref<8x256x512xf32, #tpu.memory_space<vmem>>, vector<1x256x512xf32>,
        %slice3A_144 = vector.extract_strided_slice %reshape3A_108 {offsets = [0, 3, 0], sizes = [256, 1, 512], strides = [1, 1, 1]} : vector<256x8x512xf32> to vector<256x1x512xf32>
        %squeeze3A_145 = vector.shape_cast %slice3A_144 : vector<256x1x512xf32> to vector<256x512xf32>
        %swap3A_146 = arith.constant 3 : index
        %swap3A_147 = arith.constant 0 : index
        %swap3A_148 = arith.constant 0 : index
        %swap3A_149 = vector.load %arg10[%swap3A_146, %swap3A_147, %swap3A_148] : memref<8x256x512xf32, #tpu.memory_space<vmem>>, vector<1x256x512xf32>
        %swap3A_150 = vector.shape_cast %swap3A_149 : vector<1x256x512xf32> to vector<256x512xf32>
        %swap3A_151 = vector.shape_cast %squeeze3A_145 : vector<256x512xf32> to vector<1x256x512xf32>
        tpu.vector_store %arg10[%swap3A_146, %swap3A_147, %swap3A_148], %swap3A_151 {strides = array<i32>} : memref<8x256x512xf32, #tpu.memory_space<vmem>>, vector<1x256x512xf32>,
        %slice3A_152 = vector.extract_strided_slice %reshape3A_108 {offsets = [0, 4, 0], sizes = [256, 1, 512], strides = [1, 1, 1]} : vector<256x8x512xf32> to vector<256x1x512xf32>
        %squeeze3A_153 = vector.shape_cast %slice3A_152 : vector<256x1x512xf32> to vector<256x512xf32>
        %swap3A_154 = arith.constant 4 : index
        %swap3A_155 = arith.constant 0 : index
        %swap3A_156 = arith.constant 0 : index
        %swap3A_157 = vector.load %arg10[%swap3A_154, %swap3A_155, %swap3A_156] : memref<8x256x512xf32, #tpu.memory_space<vmem>>, vector<1x256x512xf32>
        %swap3A_158 = vector.shape_cast %swap3A_157 : vector<1x256x512xf32> to vector<256x512xf32>
        %swap3A_159 = vector.shape_cast %squeeze3A_153 : vector<256x512xf32> to vector<1x256x512xf32>
        tpu.vector_store %arg10[%swap3A_154, %swap3A_155, %swap3A_156], %swap3A_159 {strides = array<i32>} : memref<8x256x512xf32, #tpu.memory_space<vmem>>, vector<1x256x512xf32>,
        %slice3A_160 = vector.extract_strided_slice %reshape3A_108 {offsets = [0, 5, 0], sizes = [256, 1, 512], strides = [1, 1, 1]} : vector<256x8x512xf32> to vector<256x1x512xf32>
        %squeeze3A_161 = vector.shape_cast %slice3A_160 : vector<256x1x512xf32> to vector<256x512xf32>
        %swap3A_162 = arith.constant 5 : index
        %swap3A_163 = arith.constant 0 : index
        %swap3A_164 = arith.constant 0 : index
        %swap3A_165 = vector.load %arg10[%swap3A_162, %swap3A_163, %swap3A_164] : memref<8x256x512xf32, #tpu.memory_space<vmem>>, vector<1x256x512xf32>
        %swap3A_166 = vector.shape_cast %swap3A_165 : vector<1x256x512xf32> to vector<256x512xf32>
        %swap3A_167 = vector.shape_cast %squeeze3A_161 : vector<256x512xf32> to vector<1x256x512xf32>
        tpu.vector_store %arg10[%swap3A_162, %swap3A_163, %swap3A_164], %swap3A_167 {strides = array<i32>} : memref<8x256x512xf32, #tpu.memory_space<vmem>>, vector<1x256x512xf32>,
        %slice3A_168 = vector.extract_strided_slice %reshape3A_108 {offsets = [0, 6, 0], sizes = [256, 1, 512], strides = [1, 1, 1]} : vector<256x8x512xf32> to vector<256x1x512xf32>
        %squeeze3A_169 = vector.shape_cast %slice3A_168 : vector<256x1x512xf32> to vector<256x512xf32>
        %swap3A_170 = arith.constant 6 : index
        %swap3A_171 = arith.constant 0 : index
        %swap3A_172 = arith.constant 0 : index
        %swap3A_173 = vector.load %arg10[%swap3A_170, %swap3A_171, %swap3A_172] : memref<8x256x512xf32, #tpu.memory_space<vmem>>, vector<1x256x512xf32>
        %swap3A_174 = vector.shape_cast %swap3A_173 : vector<1x256x512xf32> to vector<256x512xf32>
        %swap3A_175 = vector.shape_cast %squeeze3A_169 : vector<256x512xf32> to vector<1x256x512xf32>
        tpu.vector_store %arg10[%swap3A_170, %swap3A_171, %swap3A_172], %swap3A_175 {strides = array<i32>} : memref<8x256x512xf32, #tpu.memory_space<vmem>>, vector<1x256x512xf32>,
        %slice3A_176 = vector.extract_strided_slice %reshape3A_108 {offsets = [0, 7, 0], sizes = [256, 1, 512], strides = [1, 1, 1]} : vector<256x8x512xf32> to vector<256x1x512xf32>
        %squeeze3A_177 = vector.shape_cast %slice3A_176 : vector<256x1x512xf32> to vector<256x512xf32>
        %swap3A_178 = arith.constant 7 : index
        %swap3A_179 = arith.constant 0 : index
        %swap3A_180 = arith.constant 0 : index
        %swap3A_181 = vector.load %arg10[%swap3A_178, %swap3A_179, %swap3A_180] : memref<8x256x512xf32, #tpu.memory_space<vmem>>, vector<1x256x512xf32>
        %swap3A_182 = vector.shape_cast %swap3A_181 : vector<1x256x512xf32> to vector<256x512xf32>
        %swap3A_183 = vector.shape_cast %squeeze3A_177 : vector<256x512xf32> to vector<1x256x512xf32>
        tpu.vector_store %arg10[%swap3A_178, %swap3A_179, %swap3A_180], %swap3A_183 {strides = array<i32>} : memref<8x256x512xf32, #tpu.memory_space<vmem>>, vector<1x256x512xf32>,
        %mul3A = arith.constant 8 : i32
        %mul3A_184 = arith.muli %select_n3A_28, %mul3A : i32
        %add3A_185 = arith.constant 50 : i32
        %add3A_186 = arith.addi %add3A_185, %mul3A_184 : i32
        %mul3A_187 = arith.constant 256 : i32
        %mul3A_188 = arith.muli %select_n3A, %mul3A_187 : i32
        %dma_start3A = arith.constant 0 : i32
        %dma_start3A_189 = tpu.memref_slice %arg5[%add3A_186, %mul3A_188, %dma_start3A] : memref<250x1024x512xf32, #tpu.memory_space<any>> -> memref<8x256x512xf32, #tpu.memory_space<any>>
        tpu.enqueue_dma source(%arg10 : memref<8x256x512xf32, #tpu.memory_space<vmem>>) target(%dma_start3A_189 : memref<8x256x512xf32, #tpu.memory_space<any>>) target_semaphore(%arg15 : memref<!tpu.dma_semaphore, #tpu.memory_space<semaphore_mem>>)
      } else {
      }
    } else {
    }
    %eq3A_69 = arith.constant 1 : i32
    %eq3A_70 = arith.cmpi eq, %select_n3A_47, %eq3A_69 : i32
    %convert_element_type3A_71 = arith.extui %eq3A_70 : i1 to i32
    %cond3A_72 = arith.constant 0 : i32
    %cond3A_73 = arith.cmpi ne, %convert_element_type3A_71, %cond3A_72 : i32
    scf.if %cond3A_73 {
      %dma_wait3A = arith.constant 0 : i32
      %dma_wait3A_84 = arith.constant 0 : i32
      %dma_wait3A_85 = arith.constant 0 : i32
      %dma_wait3A_86 = tpu.memref_slice %arg2[%dma_wait3A, %dma_wait3A_84, %dma_wait3A_85] : memref<1024x200x512xf32, #tpu.memory_space<any>> -> memref<256x8x512xf32, #tpu.memory_space<any>>
      tpu.wait_dma2 semaphore(%arg12 : memref<!tpu.dma_semaphore, #tpu.memory_space<semaphore_mem>>) src(%dma_wait3A_86 : memref<256x8x512xf32, #tpu.memory_space<any>>) dst(%arg7 : memref<256x8x512xf32, #tpu.memory_space<vmem>>)
      %add3A_87 = arith.constant 3 : i32
      %add3A_88 = arith.addi %arg0, %add3A_87 : i32
      %sub3A_89 = arith.constant 1 : i32
      %sub3A_90 = arith.subi %add3A_88, %sub3A_89 : i32
      %lt3A_91 = arith.constant 100 : i32
      %lt3A_92 = arith.cmpi slt, %sub3A_90, %lt3A_91 : i32
      %convert_element_type3A_93 = arith.extui %lt3A_92 : i1 to i32
      %cond3A_94 = arith.constant 0 : i32
      %cond3A_95 = arith.cmpi ne, %convert_element_type3A_93, %cond3A_94 : i32
      scf.if %cond3A_95 {
        %add3A_119 = arith.constant 3 : i32
        %add3A_120 = arith.addi %arg0, %add3A_119 : i32
        %sub3A_121 = arith.constant 1 : i32
        %sub3A_122 = arith.subi %add3A_120, %sub3A_121 : i32
        %jit3A_123 = arith.constant 25 : i32
        %div3A_124 = arith.divsi %sub3A_122, %jit3A_123 : i32
        %sign3A_125 = arith.constant 0 : i32
        %sign3A_126 = arith.cmpi sgt, %sub3A_122, %sign3A_125 : i32
        %sign3A_127 = arith.extui %sign3A_126 : i1 to i32
        %sign3A_128 = arith.constant 0 : i32
        %sign3A_129 = arith.cmpi slt, %sub3A_122, %sign3A_128 : i32
        %sign3A_130 = arith.extui %sign3A_129 : i1 to i32
        %sign3A_131 = arith.subi %sign3A_127, %sign3A_130 : i32
        %sign3A_132 = arith.constant 0 : i32
        %sign3A_133 = arith.cmpi sgt, %jit3A_123, %sign3A_132 : i32
        %sign3A_134 = arith.extui %sign3A_133 : i1 to i32
        %sign3A_135 = arith.constant 0 : i32
        %sign3A_136 = arith.cmpi slt, %jit3A_123, %sign3A_135 : i32
        %sign3A_137 = arith.extui %sign3A_136 : i1 to i32
        %sign3A_138 = arith.subi %sign3A_134, %sign3A_137 : i32
        %ne3A_139 = arith.cmpi ne, %sign3A_131, %sign3A_138 : i32
        %rem3A_140 = arith.remsi %sub3A_122, %jit3A_123 : i32
        %ne3A_141 = arith.constant 0 : i32
        %ne3A_142 = arith.cmpi ne, %rem3A_140, %ne3A_141 : i32
        %and3A_143 = arith.andi %ne3A_139, %ne3A_142 : i1
        %sub3A_144 = arith.constant 1 : i32
        %sub3A_145 = arith.subi %div3A_124, %sub3A_144 : i32
        %select_n3A_146 = arith.select %and3A_143, %sub3A_145, %div3A_124 : i32
        %mul3A = arith.constant 256 : i32
        %mul3A_147 = arith.muli %select_n3A_146, %mul3A : i32
        %jit3A_148 = arith.constant 25 : i32
        %eq3A_149 = arith.constant 0 : i32
        %eq3A_150 = arith.cmpi eq, %jit3A_148, %eq3A_149 : i32
        %jit3A_151 = arith.constant 1 : i32
        %select_n3A_152 = arith.select %eq3A_150, %jit3A_151, %jit3A_148 : i32
        %rem3A_153 = arith.remsi %sub3A_122, %select_n3A_152 : i32
        %ne3A_154 = arith.constant 0 : i32
        %ne3A_155 = arith.cmpi ne, %rem3A_153, %ne3A_154 : i32
        %lt3A_156 = arith.constant 0 : i32
        %lt3A_157 = arith.cmpi slt, %rem3A_153, %lt3A_156 : i32
        %lt3A_158 = arith.constant 0 : i32
        %lt3A_159 = arith.cmpi slt, %select_n3A_152, %lt3A_158 : i32
        %ne3A_160 = arith.xori %lt3A_157, %lt3A_159 : i1
        %and3A_161 = arith.andi %ne3A_160, %ne3A_155 : i1
        %add3A_162 = arith.addi %rem3A_153, %select_n3A_152 : i32
        %select_n3A_163 = arith.select %and3A_161, %add3A_162, %rem3A_153 : i32
        %mul3A_164 = arith.constant 8 : i32
        %mul3A_165 = arith.muli %select_n3A_163, %mul3A_164 : i32
        %dma_start3A = arith.constant 0 : i32
        %dma_start3A_166 = tpu.memref_slice %arg2[%mul3A_147, %mul3A_165, %dma_start3A] : memref<1024x200x512xf32, #tpu.memory_space<any>> -> memref<256x8x512xf32, #tpu.memory_space<any>>
        tpu.enqueue_dma source(%dma_start3A_166 : memref<256x8x512xf32, #tpu.memory_space<any>>) target(%arg6 : memref<256x8x512xf32, #tpu.memory_space<vmem>>) target_semaphore(%arg11 : memref<!tpu.dma_semaphore, #tpu.memory_space<semaphore_mem>>)
      } else {
      }
      %get3A = arith.constant 0 : index
      %get3A_96 = arith.constant 0 : index
      %get3A_97 = arith.constant 0 : index
      %get3A_98 = vector.load %arg7[%get3A, %get3A_96, %get3A_97] : memref<256x8x512xf32, #tpu.memory_space<vmem>>, vector<256x8x512xf32>
      %reshape3A = vector.shape_cast %get3A_98 : vector<256x8x512xf32> to vector<2048x512xf32>
      %get3A_99 = arith.constant 0 : index
      %get3A_100 = arith.constant 0 : index
      %get3A_101 = vector.load %arg3[%get3A_99, %get3A_100] : memref<512x512xf32, #tpu.memory_space<vmem>>, vector<512x512xf32>
      %dot_general3A = arith.constant dense<0.000000e+00> : vector<2048x512xf32>
      %dot_general3A_102 = tpu.matmul %reshape3A, %get3A_101, %dot_general3A {dimension_numbers = #tpu.dot_dimension_numbers<[1], [0], [0], [1], [0, 0, 1, 1], [], []>, transpose_lhs_hint = false} : vector<2048x512xf32>, vector<512x512xf32>, vector<2048x512xf32> -> vector<2048x512xf32>
      %get3A_103 = arith.constant 0 : index
      %get3A_104 = arith.constant 0 : index
      %get3A_105 = vector.load %arg4[%get3A_103, %get3A_104] : memref<1x512xf32, #tpu.memory_space<vmem>>, vector<1x512xf32>
      %add3A_106 = vector.broadcast %get3A_105 : vector<1x512xf32> to vector<2048x512xf32>
      %add3A_107 = arith.addf %dot_general3A_102, %add3A_106 : vector<2048x512xf32>
      %reshape3A_108 = vector.shape_cast %add3A_107 : vector<2048x512xf32> to vector<256x8x512xf32>
      %eq3A_109 = arith.constant 0 : i32
      %eq3A_110 = arith.cmpi eq, %select_n3A_63, %eq3A_109 : i32
      %convert_element_type3A_111 = arith.extui %eq3A_110 : i1 to i32
      %cond3A_112 = arith.constant 0 : i32
      %cond3A_113 = arith.cmpi ne, %convert_element_type3A_111, %cond3A_112 : i32
      scf.if %cond3A_113 {
        %ge3A = arith.constant 2 : i32
        %ge3A_119 = arith.cmpi sge, %arg0, %ge3A : i32
        %convert_element_type3A_120 = arith.extui %ge3A_119 : i1 to i32
        %cond3A_121 = arith.constant 0 : i32
        %cond3A_122 = arith.cmpi ne, %convert_element_type3A_120, %cond3A_121 : i32
        scf.if %cond3A_122 {
          %dma_wait3A_190 = arith.constant 0 : i32
          %dma_wait3A_191 = arith.constant 0 : i32
          %dma_wait3A_192 = arith.constant 0 : i32
          %dma_wait3A_193 = tpu.memref_slice %arg5[%dma_wait3A_190, %dma_wait3A_191, %dma_wait3A_192] : memref<250x1024x512xf32, #tpu.memory_space<any>> -> memref<8x256x512xf32, #tpu.memory_space<any>>
          tpu.wait_dma2 semaphore(%arg14 : memref<!tpu.dma_semaphore, #tpu.memory_space<semaphore_mem>>) src(%arg9 : memref<8x256x512xf32, #tpu.memory_space<vmem>>) dst(%dma_wait3A_193 : memref<8x256x512xf32, #tpu.memory_space<any>>)
        } else {
        }
        %slice3A = vector.extract_strided_slice %reshape3A_108 {offsets = [0, 0, 0], sizes = [256, 1, 512], strides = [1, 1, 1]} : vector<256x8x512xf32> to vector<256x1x512xf32>
        %squeeze3A = vector.shape_cast %slice3A : vector<256x1x512xf32> to vector<256x512xf32>
        %swap3A = arith.constant 0 : index
        %swap3A_123 = arith.constant 0 : index
        %swap3A_124 = arith.constant 0 : index
        %swap3A_125 = vector.load %arg9[%swap3A, %swap3A_123, %swap3A_124] : memref<8x256x512xf32, #tpu.memory_space<vmem>>, vector<1x256x512xf32>
        %swap3A_126 = vector.shape_cast %swap3A_125 : vector<1x256x512xf32> to vector<256x512xf32>
        %swap3A_127 = vector.shape_cast %squeeze3A : vector<256x512xf32> to vector<1x256x512xf32>
        tpu.vector_store %arg9[%swap3A, %swap3A_123, %swap3A_124], %swap3A_127 {strides = array<i32>} : memref<8x256x512xf32, #tpu.memory_space<vmem>>, vector<1x256x512xf32>,
        %slice3A_128 = vector.extract_strided_slice %reshape3A_108 {offsets = [0, 1, 0], sizes = [256, 1, 512], strides = [1, 1, 1]} : vector<256x8x512xf32> to vector<256x1x512xf32>
        %squeeze3A_129 = vector.shape_cast %slice3A_128 : vector<256x1x512xf32> to vector<256x512xf32>
        %swap3A_130 = arith.constant 1 : index
        %swap3A_131 = arith.constant 0 : index
        %swap3A_132 = arith.constant 0 : index
        %swap3A_133 = vector.load %arg9[%swap3A_130, %swap3A_131, %swap3A_132] : memref<8x256x512xf32, #tpu.memory_space<vmem>>, vector<1x256x512xf32>
        %swap3A_134 = vector.shape_cast %swap3A_133 : vector<1x256x512xf32> to vector<256x512xf32>
        %swap3A_135 = vector.shape_cast %squeeze3A_129 : vector<256x512xf32> to vector<1x256x512xf32>
        tpu.vector_store %arg9[%swap3A_130, %swap3A_131, %swap3A_132], %swap3A_135 {strides = array<i32>} : memref<8x256x512xf32, #tpu.memory_space<vmem>>, vector<1x256x512xf32>,
        %slice3A_136 = vector.extract_strided_slice %reshape3A_108 {offsets = [0, 2, 0], sizes = [256, 1, 512], strides = [1, 1, 1]} : vector<256x8x512xf32> to vector<256x1x512xf32>
        %squeeze3A_137 = vector.shape_cast %slice3A_136 : vector<256x1x512xf32> to vector<256x512xf32>
        %swap3A_138 = arith.constant 2 : index
        %swap3A_139 = arith.constant 0 : index
        %swap3A_140 = arith.constant 0 : index
        %swap3A_141 = vector.load %arg9[%swap3A_138, %swap3A_139, %swap3A_140] : memref<8x256x512xf32, #tpu.memory_space<vmem>>, vector<1x256x512xf32>
        %swap3A_142 = vector.shape_cast %swap3A_141 : vector<1x256x512xf32> to vector<256x512xf32>
        %swap3A_143 = vector.shape_cast %squeeze3A_137 : vector<256x512xf32> to vector<1x256x512xf32>
        tpu.vector_store %arg9[%swap3A_138, %swap3A_139, %swap3A_140], %swap3A_143 {strides = array<i32>} : memref<8x256x512xf32, #tpu.memory_space<vmem>>, vector<1x256x512xf32>,
        %slice3A_144 = vector.extract_strided_slice %reshape3A_108 {offsets = [0, 3, 0], sizes = [256, 1, 512], strides = [1, 1, 1]} : vector<256x8x512xf32> to vector<256x1x512xf32>
        %squeeze3A_145 = vector.shape_cast %slice3A_144 : vector<256x1x512xf32> to vector<256x512xf32>
        %swap3A_146 = arith.constant 3 : index
        %swap3A_147 = arith.constant 0 : index
        %swap3A_148 = arith.constant 0 : index
        %swap3A_149 = vector.load %arg9[%swap3A_146, %swap3A_147, %swap3A_148] : memref<8x256x512xf32, #tpu.memory_space<vmem>>, vector<1x256x512xf32>
        %swap3A_150 = vector.shape_cast %swap3A_149 : vector<1x256x512xf32> to vector<256x512xf32>
        %swap3A_151 = vector.shape_cast %squeeze3A_145 : vector<256x512xf32> to vector<1x256x512xf32>
        tpu.vector_store %arg9[%swap3A_146, %swap3A_147, %swap3A_148], %swap3A_151 {strides = array<i32>} : memref<8x256x512xf32, #tpu.memory_space<vmem>>, vector<1x256x512xf32>,
        %slice3A_152 = vector.extract_strided_slice %reshape3A_108 {offsets = [0, 4, 0], sizes = [256, 1, 512], strides = [1, 1, 1]} : vector<256x8x512xf32> to vector<256x1x512xf32>
        %squeeze3A_153 = vector.shape_cast %slice3A_152 : vector<256x1x512xf32> to vector<256x512xf32>
        %swap3A_154 = arith.constant 4 : index
        %swap3A_155 = arith.constant 0 : index
        %swap3A_156 = arith.constant 0 : index
        %swap3A_157 = vector.load %arg9[%swap3A_154, %swap3A_155, %swap3A_156] : memref<8x256x512xf32, #tpu.memory_space<vmem>>, vector<1x256x512xf32>
        %swap3A_158 = vector.shape_cast %swap3A_157 : vector<1x256x512xf32> to vector<256x512xf32>
        %swap3A_159 = vector.shape_cast %squeeze3A_153 : vector<256x512xf32> to vector<1x256x512xf32>
        tpu.vector_store %arg9[%swap3A_154, %swap3A_155, %swap3A_156], %swap3A_159 {strides = array<i32>} : memref<8x256x512xf32, #tpu.memory_space<vmem>>, vector<1x256x512xf32>,
        %slice3A_160 = vector.extract_strided_slice %reshape3A_108 {offsets = [0, 5, 0], sizes = [256, 1, 512], strides = [1, 1, 1]} : vector<256x8x512xf32> to vector<256x1x512xf32>
        %squeeze3A_161 = vector.shape_cast %slice3A_160 : vector<256x1x512xf32> to vector<256x512xf32>
        %swap3A_162 = arith.constant 5 : index
        %swap3A_163 = arith.constant 0 : index
        %swap3A_164 = arith.constant 0 : index
        %swap3A_165 = vector.load %arg9[%swap3A_162, %swap3A_163, %swap3A_164] : memref<8x256x512xf32, #tpu.memory_space<vmem>>, vector<1x256x512xf32>
        %swap3A_166 = vector.shape_cast %swap3A_165 : vector<1x256x512xf32> to vector<256x512xf32>
        %swap3A_167 = vector.shape_cast %squeeze3A_161 : vector<256x512xf32> to vector<1x256x512xf32>
        tpu.vector_store %arg9[%swap3A_162, %swap3A_163, %swap3A_164], %swap3A_167 {strides = array<i32>} : memref<8x256x512xf32, #tpu.memory_space<vmem>>, vector<1x256x512xf32>,
        %slice3A_168 = vector.extract_strided_slice %reshape3A_108 {offsets = [0, 6, 0], sizes = [256, 1, 512], strides = [1, 1, 1]} : vector<256x8x512xf32> to vector<256x1x512xf32>
        %squeeze3A_169 = vector.shape_cast %slice3A_168 : vector<256x1x512xf32> to vector<256x512xf32>
        %swap3A_170 = arith.constant 6 : index
        %swap3A_171 = arith.constant 0 : index
        %swap3A_172 = arith.constant 0 : index
        %swap3A_173 = vector.load %arg9[%swap3A_170, %swap3A_171, %swap3A_172] : memref<8x256x512xf32, #tpu.memory_space<vmem>>, vector<1x256x512xf32>
        %swap3A_174 = vector.shape_cast %swap3A_173 : vector<1x256x512xf32> to vector<256x512xf32>
        %swap3A_175 = vector.shape_cast %squeeze3A_169 : vector<256x512xf32> to vector<1x256x512xf32>
        tpu.vector_store %arg9[%swap3A_170, %swap3A_171, %swap3A_172], %swap3A_175 {strides = array<i32>} : memref<8x256x512xf32, #tpu.memory_space<vmem>>, vector<1x256x512xf32>,
        %slice3A_176 = vector.extract_strided_slice %reshape3A_108 {offsets = [0, 7, 0], sizes = [256, 1, 512], strides = [1, 1, 1]} : vector<256x8x512xf32> to vector<256x1x512xf32>
        %squeeze3A_177 = vector.shape_cast %slice3A_176 : vector<256x1x512xf32> to vector<256x512xf32>
        %swap3A_178 = arith.constant 7 : index
        %swap3A_179 = arith.constant 0 : index
        %swap3A_180 = arith.constant 0 : index
        %swap3A_181 = vector.load %arg9[%swap3A_178, %swap3A_179, %swap3A_180] : memref<8x256x512xf32, #tpu.memory_space<vmem>>, vector<1x256x512xf32>
        %swap3A_182 = vector.shape_cast %swap3A_181 : vector<1x256x512xf32> to vector<256x512xf32>
        %swap3A_183 = vector.shape_cast %squeeze3A_177 : vector<256x512xf32> to vector<1x256x512xf32>
        tpu.vector_store %arg9[%swap3A_178, %swap3A_179, %swap3A_180], %swap3A_183 {strides = array<i32>} : memref<8x256x512xf32, #tpu.memory_space<vmem>>, vector<1x256x512xf32>,
        %mul3A = arith.constant 8 : i32
        %mul3A_184 = arith.muli %select_n3A_28, %mul3A : i32
        %add3A_185 = arith.constant 50 : i32
        %add3A_186 = arith.addi %add3A_185, %mul3A_184 : i32
        %mul3A_187 = arith.constant 256 : i32
        %mul3A_188 = arith.muli %select_n3A, %mul3A_187 : i32
        %dma_start3A = arith.constant 0 : i32
        %dma_start3A_189 = tpu.memref_slice %arg5[%add3A_186, %mul3A_188, %dma_start3A] : memref<250x1024x512xf32, #tpu.memory_space<any>> -> memref<8x256x512xf32, #tpu.memory_space<any>>
        tpu.enqueue_dma source(%arg9 : memref<8x256x512xf32, #tpu.memory_space<vmem>>) target(%dma_start3A_189 : memref<8x256x512xf32, #tpu.memory_space<any>>) target_semaphore(%arg14 : memref<!tpu.dma_semaphore, #tpu.memory_space<semaphore_mem>>)
      } else {
      }
      %eq3A_114 = arith.constant 1 : i32
      %eq3A_115 = arith.cmpi eq, %select_n3A_63, %eq3A_114 : i32
      %convert_element_type3A_116 = arith.extui %eq3A_115 : i1 to i32
      %cond3A_117 = arith.constant 0 : i32
      %cond3A_118 = arith.cmpi ne, %convert_element_type3A_116, %cond3A_117 : i32
      scf.if %cond3A_118 {
        %ge3A = arith.constant 2 : i32
        %ge3A_119 = arith.cmpi sge, %arg0, %ge3A : i32
        %convert_element_type3A_120 = arith.extui %ge3A_119 : i1 to i32
        %cond3A_121 = arith.constant 0 : i32
        %cond3A_122 = arith.cmpi ne, %convert_element_type3A_120, %cond3A_121 : i32
        scf.if %cond3A_122 {
          %dma_wait3A_190 = arith.constant 0 : i32
          %dma_wait3A_191 = arith.constant 0 : i32
          %dma_wait3A_192 = arith.constant 0 : i32
          %dma_wait3A_193 = tpu.memref_slice %arg5[%dma_wait3A_190, %dma_wait3A_191, %dma_wait3A_192] : memref<250x1024x512xf32, #tpu.memory_space<any>> -> memref<8x256x512xf32, #tpu.memory_space<any>>
          tpu.wait_dma2 semaphore(%arg15 : memref<!tpu.dma_semaphore, #tpu.memory_space<semaphore_mem>>) src(%arg10 : memref<8x256x512xf32, #tpu.memory_space<vmem>>) dst(%dma_wait3A_193 : memref<8x256x512xf32, #tpu.memory_space<any>>)
        } else {
        }
        %slice3A = vector.extract_strided_slice %reshape3A_108 {offsets = [0, 0, 0], sizes = [256, 1, 512], strides = [1, 1, 1]} : vector<256x8x512xf32> to vector<256x1x512xf32>
        %squeeze3A = vector.shape_cast %slice3A : vector<256x1x512xf32> to vector<256x512xf32>
        %swap3A = arith.constant 0 : index
        %swap3A_123 = arith.constant 0 : index
        %swap3A_124 = arith.constant 0 : index
        %swap3A_125 = vector.load %arg10[%swap3A, %swap3A_123, %swap3A_124] : memref<8x256x512xf32, #tpu.memory_space<vmem>>, vector<1x256x512xf32>
        %swap3A_126 = vector.shape_cast %swap3A_125 : vector<1x256x512xf32> to vector<256x512xf32>
        %swap3A_127 = vector.shape_cast %squeeze3A : vector<256x512xf32> to vector<1x256x512xf32>
        tpu.vector_store %arg10[%swap3A, %swap3A_123, %swap3A_124], %swap3A_127 {strides = array<i32>} : memref<8x256x512xf32, #tpu.memory_space<vmem>>, vector<1x256x512xf32>,
        %slice3A_128 = vector.extract_strided_slice %reshape3A_108 {offsets = [0, 1, 0], sizes = [256, 1, 512], strides = [1, 1, 1]} : vector<256x8x512xf32> to vector<256x1x512xf32>
        %squeeze3A_129 = vector.shape_cast %slice3A_128 : vector<256x1x512xf32> to vector<256x512xf32>
        %swap3A_130 = arith.constant 1 : index
        %swap3A_131 = arith.constant 0 : index
        %swap3A_132 = arith.constant 0 : index
        %swap3A_133 = vector.load %arg10[%swap3A_130, %swap3A_131, %swap3A_132] : memref<8x256x512xf32, #tpu.memory_space<vmem>>, vector<1x256x512xf32>
        %swap3A_134 = vector.shape_cast %swap3A_133 : vector<1x256x512xf32> to vector<256x512xf32>
        %swap3A_135 = vector.shape_cast %squeeze3A_129 : vector<256x512xf32> to vector<1x256x512xf32>
        tpu.vector_store %arg10[%swap3A_130, %swap3A_131, %swap3A_132], %swap3A_135 {strides = array<i32>} : memref<8x256x512xf32, #tpu.memory_space<vmem>>, vector<1x256x512xf32>,
        %slice3A_136 = vector.extract_strided_slice %reshape3A_108 {offsets = [0, 2, 0], sizes = [256, 1, 512], strides = [1, 1, 1]} : vector<256x8x512xf32> to vector<256x1x512xf32>
        %squeeze3A_137 = vector.shape_cast %slice3A_136 : vector<256x1x512xf32> to vector<256x512xf32>
        %swap3A_138 = arith.constant 2 : index
        %swap3A_139 = arith.constant 0 : index
        %swap3A_140 = arith.constant 0 : index
        %swap3A_141 = vector.load %arg10[%swap3A_138, %swap3A_139, %swap3A_140] : memref<8x256x512xf32, #tpu.memory_space<vmem>>, vector<1x256x512xf32>
        %swap3A_142 = vector.shape_cast %swap3A_141 : vector<1x256x512xf32> to vector<256x512xf32>
        %swap3A_143 = vector.shape_cast %squeeze3A_137 : vector<256x512xf32> to vector<1x256x512xf32>
        tpu.vector_store %arg10[%swap3A_138, %swap3A_139, %swap3A_140], %swap3A_143 {strides = array<i32>} : memref<8x256x512xf32, #tpu.memory_space<vmem>>, vector<1x256x512xf32>,
        %slice3A_144 = vector.extract_strided_slice %reshape3A_108 {offsets = [0, 3, 0], sizes = [256, 1, 512], strides = [1, 1, 1]} : vector<256x8x512xf32> to vector<256x1x512xf32>
        %squeeze3A_145 = vector.shape_cast %slice3A_144 : vector<256x1x512xf32> to vector<256x512xf32>
        %swap3A_146 = arith.constant 3 : index
        %swap3A_147 = arith.constant 0 : index
        %swap3A_148 = arith.constant 0 : index
        %swap3A_149 = vector.load %arg10[%swap3A_146, %swap3A_147, %swap3A_148] : memref<8x256x512xf32, #tpu.memory_space<vmem>>, vector<1x256x512xf32>
        %swap3A_150 = vector.shape_cast %swap3A_149 : vector<1x256x512xf32> to vector<256x512xf32>
        %swap3A_151 = vector.shape_cast %squeeze3A_145 : vector<256x512xf32> to vector<1x256x512xf32>
        tpu.vector_store %arg10[%swap3A_146, %swap3A_147, %swap3A_148], %swap3A_151 {strides = array<i32>} : memref<8x256x512xf32, #tpu.memory_space<vmem>>, vector<1x256x512xf32>,
        %slice3A_152 = vector.extract_strided_slice %reshape3A_108 {offsets = [0, 4, 0], sizes = [256, 1, 512], strides = [1, 1, 1]} : vector<256x8x512xf32> to vector<256x1x512xf32>
        %squeeze3A_153 = vector.shape_cast %slice3A_152 : vector<256x1x512xf32> to vector<256x512xf32>
        %swap3A_154 = arith.constant 4 : index
        %swap3A_155 = arith.constant 0 : index
        %swap3A_156 = arith.constant 0 : index
        %swap3A_157 = vector.load %arg10[%swap3A_154, %swap3A_155, %swap3A_156] : memref<8x256x512xf32, #tpu.memory_space<vmem>>, vector<1x256x512xf32>
        %swap3A_158 = vector.shape_cast %swap3A_157 : vector<1x256x512xf32> to vector<256x512xf32>
        %swap3A_159 = vector.shape_cast %squeeze3A_153 : vector<256x512xf32> to vector<1x256x512xf32>
        tpu.vector_store %arg10[%swap3A_154, %swap3A_155, %swap3A_156], %swap3A_159 {strides = array<i32>} : memref<8x256x512xf32, #tpu.memory_space<vmem>>, vector<1x256x512xf32>,
        %slice3A_160 = vector.extract_strided_slice %reshape3A_108 {offsets = [0, 5, 0], sizes = [256, 1, 512], strides = [1, 1, 1]} : vector<256x8x512xf32> to vector<256x1x512xf32>
        %squeeze3A_161 = vector.shape_cast %slice3A_160 : vector<256x1x512xf32> to vector<256x512xf32>
        %swap3A_162 = arith.constant 5 : index
        %swap3A_163 = arith.constant 0 : index
        %swap3A_164 = arith.constant 0 : index
        %swap3A_165 = vector.load %arg10[%swap3A_162, %swap3A_163, %swap3A_164] : memref<8x256x512xf32, #tpu.memory_space<vmem>>, vector<1x256x512xf32>
        %swap3A_166 = vector.shape_cast %swap3A_165 : vector<1x256x512xf32> to vector<256x512xf32>
        %swap3A_167 = vector.shape_cast %squeeze3A_161 : vector<256x512xf32> to vector<1x256x512xf32>
        tpu.vector_store %arg10[%swap3A_162, %swap3A_163, %swap3A_164], %swap3A_167 {strides = array<i32>} : memref<8x256x512xf32, #tpu.memory_space<vmem>>, vector<1x256x512xf32>,
        %slice3A_168 = vector.extract_strided_slice %reshape3A_108 {offsets = [0, 6, 0], sizes = [256, 1, 512], strides = [1, 1, 1]} : vector<256x8x512xf32> to vector<256x1x512xf32>
        %squeeze3A_169 = vector.shape_cast %slice3A_168 : vector<256x1x512xf32> to vector<256x512xf32>
        %swap3A_170 = arith.constant 6 : index
        %swap3A_171 = arith.constant 0 : index
        %swap3A_172 = arith.constant 0 : index
        %swap3A_173 = vector.load %arg10[%swap3A_170, %swap3A_171, %swap3A_172] : memref<8x256x512xf32, #tpu.memory_space<vmem>>, vector<1x256x512xf32>
        %swap3A_174 = vector.shape_cast %swap3A_173 : vector<1x256x512xf32> to vector<256x512xf32>
        %swap3A_175 = vector.shape_cast %squeeze3A_169 : vector<256x512xf32> to vector<1x256x512xf32>
        tpu.vector_store %arg10[%swap3A_170, %swap3A_171, %swap3A_172], %swap3A_175 {strides = array<i32>} : memref<8x256x512xf32, #tpu.memory_space<vmem>>, vector<1x256x512xf32>,
        %slice3A_176 = vector.extract_strided_slice %reshape3A_108 {offsets = [0, 7, 0], sizes = [256, 1, 512], strides = [1, 1, 1]} : vector<256x8x512xf32> to vector<256x1x512xf32>
        %squeeze3A_177 = vector.shape_cast %slice3A_176 : vector<256x1x512xf32> to vector<256x512xf32>
        %swap3A_178 = arith.constant 7 : index
        %swap3A_179 = arith.constant 0 : index
        %swap3A_180 = arith.constant 0 : index
        %swap3A_181 = vector.load %arg10[%swap3A_178, %swap3A_179, %swap3A_180] : memref<8x256x512xf32, #tpu.memory_space<vmem>>, vector<1x256x512xf32>
        %swap3A_182 = vector.shape_cast %swap3A_181 : vector<1x256x512xf32> to vector<256x512xf32>
        %swap3A_183 = vector.shape_cast %squeeze3A_177 : vector<256x512xf32> to vector<1x256x512xf32>
        tpu.vector_store %arg10[%swap3A_178, %swap3A_179, %swap3A_180], %swap3A_183 {strides = array<i32>} : memref<8x256x512xf32, #tpu.memory_space<vmem>>, vector<1x256x512xf32>,
        %mul3A = arith.constant 8 : i32
        %mul3A_184 = arith.muli %select_n3A_28, %mul3A : i32
        %add3A_185 = arith.constant 50 : i32
        %add3A_186 = arith.addi %add3A_185, %mul3A_184 : i32
        %mul3A_187 = arith.constant 256 : i32
        %mul3A_188 = arith.muli %select_n3A, %mul3A_187 : i32
        %dma_start3A = arith.constant 0 : i32
        %dma_start3A_189 = tpu.memref_slice %arg5[%add3A_186, %mul3A_188, %dma_start3A] : memref<250x1024x512xf32, #tpu.memory_space<any>> -> memref<8x256x512xf32, #tpu.memory_space<any>>
        tpu.enqueue_dma source(%arg10 : memref<8x256x512xf32, #tpu.memory_space<vmem>>) target(%dma_start3A_189 : memref<8x256x512xf32, #tpu.memory_space<any>>) target_semaphore(%arg15 : memref<!tpu.dma_semaphore, #tpu.memory_space<semaphore_mem>>)
      } else {
      }
    } else {
    }
    %eq3A_74 = arith.constant 2 : i32
    %eq3A_75 = arith.cmpi eq, %select_n3A_47, %eq3A_74 : i32
    %convert_element_type3A_76 = arith.extui %eq3A_75 : i1 to i32
    %cond3A_77 = arith.constant 0 : i32
    %cond3A_78 = arith.cmpi ne, %convert_element_type3A_76, %cond3A_77 : i32
    scf.if %cond3A_78 {
      %dma_wait3A = arith.constant 0 : i32
      %dma_wait3A_84 = arith.constant 0 : i32
      %dma_wait3A_85 = arith.constant 0 : i32
      %dma_wait3A_86 = tpu.memref_slice %arg2[%dma_wait3A, %dma_wait3A_84, %dma_wait3A_85] : memref<1024x200x512xf32, #tpu.memory_space<any>> -> memref<256x8x512xf32, #tpu.memory_space<any>>
      tpu.wait_dma2 semaphore(%arg13 : memref<!tpu.dma_semaphore, #tpu.memory_space<semaphore_mem>>) src(%dma_wait3A_86 : memref<256x8x512xf32, #tpu.memory_space<any>>) dst(%arg8 : memref<256x8x512xf32, #tpu.memory_space<vmem>>)
      %add3A_87 = arith.constant 3 : i32
      %add3A_88 = arith.addi %arg0, %add3A_87 : i32
      %sub3A_89 = arith.constant 1 : i32
      %sub3A_90 = arith.subi %add3A_88, %sub3A_89 : i32
      %lt3A_91 = arith.constant 100 : i32
      %lt3A_92 = arith.cmpi slt, %sub3A_90, %lt3A_91 : i32
      %convert_element_type3A_93 = arith.extui %lt3A_92 : i1 to i32
      %cond3A_94 = arith.constant 0 : i32
      %cond3A_95 = arith.cmpi ne, %convert_element_type3A_93, %cond3A_94 : i32
      scf.if %cond3A_95 {
        %add3A_119 = arith.constant 3 : i32
        %add3A_120 = arith.addi %arg0, %add3A_119 : i32
        %sub3A_121 = arith.constant 1 : i32
        %sub3A_122 = arith.subi %add3A_120, %sub3A_121 : i32
        %jit3A_123 = arith.constant 25 : i32
        %div3A_124 = arith.divsi %sub3A_122, %jit3A_123 : i32
        %sign3A_125 = arith.constant 0 : i32
        %sign3A_126 = arith.cmpi sgt, %sub3A_122, %sign3A_125 : i32
        %sign3A_127 = arith.extui %sign3A_126 : i1 to i32
        %sign3A_128 = arith.constant 0 : i32
        %sign3A_129 = arith.cmpi slt, %sub3A_122, %sign3A_128 : i32
        %sign3A_130 = arith.extui %sign3A_129 : i1 to i32
        %sign3A_131 = arith.subi %sign3A_127, %sign3A_130 : i32
        %sign3A_132 = arith.constant 0 : i32
        %sign3A_133 = arith.cmpi sgt, %jit3A_123, %sign3A_132 : i32
        %sign3A_134 = arith.extui %sign3A_133 : i1 to i32
        %sign3A_135 = arith.constant 0 : i32
        %sign3A_136 = arith.cmpi slt, %jit3A_123, %sign3A_135 : i32
        %sign3A_137 = arith.extui %sign3A_136 : i1 to i32
        %sign3A_138 = arith.subi %sign3A_134, %sign3A_137 : i32
        %ne3A_139 = arith.cmpi ne, %sign3A_131, %sign3A_138 : i32
        %rem3A_140 = arith.remsi %sub3A_122, %jit3A_123 : i32
        %ne3A_141 = arith.constant 0 : i32
        %ne3A_142 = arith.cmpi ne, %rem3A_140, %ne3A_141 : i32
        %and3A_143 = arith.andi %ne3A_139, %ne3A_142 : i1
        %sub3A_144 = arith.constant 1 : i32
        %sub3A_145 = arith.subi %div3A_124, %sub3A_144 : i32
        %select_n3A_146 = arith.select %and3A_143, %sub3A_145, %div3A_124 : i32
        %mul3A = arith.constant 256 : i32
        %mul3A_147 = arith.muli %select_n3A_146, %mul3A : i32
        %jit3A_148 = arith.constant 25 : i32
        %eq3A_149 = arith.constant 0 : i32
        %eq3A_150 = arith.cmpi eq, %jit3A_148, %eq3A_149 : i32
        %jit3A_151 = arith.constant 1 : i32
        %select_n3A_152 = arith.select %eq3A_150, %jit3A_151, %jit3A_148 : i32
        %rem3A_153 = arith.remsi %sub3A_122, %select_n3A_152 : i32
        %ne3A_154 = arith.constant 0 : i32
        %ne3A_155 = arith.cmpi ne, %rem3A_153, %ne3A_154 : i32
        %lt3A_156 = arith.constant 0 : i32
        %lt3A_157 = arith.cmpi slt, %rem3A_153, %lt3A_156 : i32
        %lt3A_158 = arith.constant 0 : i32
        %lt3A_159 = arith.cmpi slt, %select_n3A_152, %lt3A_158 : i32
        %ne3A_160 = arith.xori %lt3A_157, %lt3A_159 : i1
        %and3A_161 = arith.andi %ne3A_160, %ne3A_155 : i1
        %add3A_162 = arith.addi %rem3A_153, %select_n3A_152 : i32
        %select_n3A_163 = arith.select %and3A_161, %add3A_162, %rem3A_153 : i32
        %mul3A_164 = arith.constant 8 : i32
        %mul3A_165 = arith.muli %select_n3A_163, %mul3A_164 : i32
        %dma_start3A = arith.constant 0 : i32
        %dma_start3A_166 = tpu.memref_slice %arg2[%mul3A_147, %mul3A_165, %dma_start3A] : memref<1024x200x512xf32, #tpu.memory_space<any>> -> memref<256x8x512xf32, #tpu.memory_space<any>>
        tpu.enqueue_dma source(%dma_start3A_166 : memref<256x8x512xf32, #tpu.memory_space<any>>) target(%arg7 : memref<256x8x512xf32, #tpu.memory_space<vmem>>) target_semaphore(%arg12 : memref<!tpu.dma_semaphore, #tpu.memory_space<semaphore_mem>>)
      } else {
      }
      %get3A = arith.constant 0 : index
      %get3A_96 = arith.constant 0 : index
      %get3A_97 = arith.constant 0 : index
      %get3A_98 = vector.load %arg8[%get3A, %get3A_96, %get3A_97] : memref<256x8x512xf32, #tpu.memory_space<vmem>>, vector<256x8x512xf32>
      %reshape3A = vector.shape_cast %get3A_98 : vector<256x8x512xf32> to vector<2048x512xf32>
      %get3A_99 = arith.constant 0 : index
      %get3A_100 = arith.constant 0 : index
      %get3A_101 = vector.load %arg3[%get3A_99, %get3A_100] : memref<512x512xf32, #tpu.memory_space<vmem>>, vector<512x512xf32>
      %dot_general3A = arith.constant dense<0.000000e+00> : vector<2048x512xf32>
      %dot_general3A_102 = tpu.matmul %reshape3A, %get3A_101, %dot_general3A {dimension_numbers = #tpu.dot_dimension_numbers<[1], [0], [0], [1], [0, 0, 1, 1], [], []>, transpose_lhs_hint = false} : vector<2048x512xf32>, vector<512x512xf32>, vector<2048x512xf32> -> vector<2048x512xf32>
      %get3A_103 = arith.constant 0 : index
      %get3A_104 = arith.constant 0 : index
      %get3A_105 = vector.load %arg4[%get3A_103, %get3A_104] : memref<1x512xf32, #tpu.memory_space<vmem>>, vector<1x512xf32>
      %add3A_106 = vector.broadcast %get3A_105 : vector<1x512xf32> to vector<2048x512xf32>
      %add3A_107 = arith.addf %dot_general3A_102, %add3A_106 : vector<2048x512xf32>
      %reshape3A_108 = vector.shape_cast %add3A_107 : vector<2048x512xf32> to vector<256x8x512xf32>
      %eq3A_109 = arith.constant 0 : i32
      %eq3A_110 = arith.cmpi eq, %select_n3A_63, %eq3A_109 : i32
      %convert_element_type3A_111 = arith.extui %eq3A_110 : i1 to i32
      %cond3A_112 = arith.constant 0 : i32
      %cond3A_113 = arith.cmpi ne, %convert_element_type3A_111, %cond3A_112 : i32
      scf.if %cond3A_113 {
        %ge3A = arith.constant 2 : i32
        %ge3A_119 = arith.cmpi sge, %arg0, %ge3A : i32
        %convert_element_type3A_120 = arith.extui %ge3A_119 : i1 to i32
        %cond3A_121 = arith.constant 0 : i32
        %cond3A_122 = arith.cmpi ne, %convert_element_type3A_120, %cond3A_121 : i32
        scf.if %cond3A_122 {
          %dma_wait3A_190 = arith.constant 0 : i32
          %dma_wait3A_191 = arith.constant 0 : i32
          %dma_wait3A_192 = arith.constant 0 : i32
          %dma_wait3A_193 = tpu.memref_slice %arg5[%dma_wait3A_190, %dma_wait3A_191, %dma_wait3A_192] : memref<250x1024x512xf32, #tpu.memory_space<any>> -> memref<8x256x512xf32, #tpu.memory_space<any>>
          tpu.wait_dma2 semaphore(%arg14 : memref<!tpu.dma_semaphore, #tpu.memory_space<semaphore_mem>>) src(%arg9 : memref<8x256x512xf32, #tpu.memory_space<vmem>>) dst(%dma_wait3A_193 : memref<8x256x512xf32, #tpu.memory_space<any>>)
        } else {
        }
        %slice3A = vector.extract_strided_slice %reshape3A_108 {offsets = [0, 0, 0], sizes = [256, 1, 512], strides = [1, 1, 1]} : vector<256x8x512xf32> to vector<256x1x512xf32>
        %squeeze3A = vector.shape_cast %slice3A : vector<256x1x512xf32> to vector<256x512xf32>
        %swap3A = arith.constant 0 : index
        %swap3A_123 = arith.constant 0 : index
        %swap3A_124 = arith.constant 0 : index
        %swap3A_125 = vector.load %arg9[%swap3A, %swap3A_123, %swap3A_124] : memref<8x256x512xf32, #tpu.memory_space<vmem>>, vector<1x256x512xf32>
        %swap3A_126 = vector.shape_cast %swap3A_125 : vector<1x256x512xf32> to vector<256x512xf32>
        %swap3A_127 = vector.shape_cast %squeeze3A : vector<256x512xf32> to vector<1x256x512xf32>
        tpu.vector_store %arg9[%swap3A, %swap3A_123, %swap3A_124], %swap3A_127 {strides = array<i32>} : memref<8x256x512xf32, #tpu.memory_space<vmem>>, vector<1x256x512xf32>,
        %slice3A_128 = vector.extract_strided_slice %reshape3A_108 {offsets = [0, 1, 0], sizes = [256, 1, 512], strides = [1, 1, 1]} : vector<256x8x512xf32> to vector<256x1x512xf32>
        %squeeze3A_129 = vector.shape_cast %slice3A_128 : vector<256x1x512xf32> to vector<256x512xf32>
        %swap3A_130 = arith.constant 1 : index
        %swap3A_131 = arith.constant 0 : index
        %swap3A_132 = arith.constant 0 : index
        %swap3A_133 = vector.load %arg9[%swap3A_130, %swap3A_131, %swap3A_132] : memref<8x256x512xf32, #tpu.memory_space<vmem>>, vector<1x256x512xf32>
        %swap3A_134 = vector.shape_cast %swap3A_133 : vector<1x256x512xf32> to vector<256x512xf32>
        %swap3A_135 = vector.shape_cast %squeeze3A_129 : vector<256x512xf32> to vector<1x256x512xf32>
        tpu.vector_store %arg9[%swap3A_130, %swap3A_131, %swap3A_132], %swap3A_135 {strides = array<i32>} : memref<8x256x512xf32, #tpu.memory_space<vmem>>, vector<1x256x512xf32>,
        %slice3A_136 = vector.extract_strided_slice %reshape3A_108 {offsets = [0, 2, 0], sizes = [256, 1, 512], strides = [1, 1, 1]} : vector<256x8x512xf32> to vector<256x1x512xf32>
        %squeeze3A_137 = vector.shape_cast %slice3A_136 : vector<256x1x512xf32> to vector<256x512xf32>
        %swap3A_138 = arith.constant 2 : index
        %swap3A_139 = arith.constant 0 : index
        %swap3A_140 = arith.constant 0 : index
        %swap3A_141 = vector.load %arg9[%swap3A_138, %swap3A_139, %swap3A_140] : memref<8x256x512xf32, #tpu.memory_space<vmem>>, vector<1x256x512xf32>
        %swap3A_142 = vector.shape_cast %swap3A_141 : vector<1x256x512xf32> to vector<256x512xf32>
        %swap3A_143 = vector.shape_cast %squeeze3A_137 : vector<256x512xf32> to vector<1x256x512xf32>
        tpu.vector_store %arg9[%swap3A_138, %swap3A_139, %swap3A_140], %swap3A_143 {strides = array<i32>} : memref<8x256x512xf32, #tpu.memory_space<vmem>>, vector<1x256x512xf32>,
        %slice3A_144 = vector.extract_strided_slice %reshape3A_108 {offsets = [0, 3, 0], sizes = [256, 1, 512], strides = [1, 1, 1]} : vector<256x8x512xf32> to vector<256x1x512xf32>
        %squeeze3A_145 = vector.shape_cast %slice3A_144 : vector<256x1x512xf32> to vector<256x512xf32>
        %swap3A_146 = arith.constant 3 : index
        %swap3A_147 = arith.constant 0 : index
        %swap3A_148 = arith.constant 0 : index
        %swap3A_149 = vector.load %arg9[%swap3A_146, %swap3A_147, %swap3A_148] : memref<8x256x512xf32, #tpu.memory_space<vmem>>, vector<1x256x512xf32>
        %swap3A_150 = vector.shape_cast %swap3A_149 : vector<1x256x512xf32> to vector<256x512xf32>
        %swap3A_151 = vector.shape_cast %squeeze3A_145 : vector<256x512xf32> to vector<1x256x512xf32>
        tpu.vector_store %arg9[%swap3A_146, %swap3A_147, %swap3A_148], %swap3A_151 {strides = array<i32>} : memref<8x256x512xf32, #tpu.memory_space<vmem>>, vector<1x256x512xf32>,
        %slice3A_152 = vector.extract_strided_slice %reshape3A_108 {offsets = [0, 4, 0], sizes = [256, 1, 512], strides = [1, 1, 1]} : vector<256x8x512xf32> to vector<256x1x512xf32>
        %squeeze3A_153 = vector.shape_cast %slice3A_152 : vector<256x1x512xf32> to vector<256x512xf32>
        %swap3A_154 = arith.constant 4 : index
        %swap3A_155 = arith.constant 0 : index
        %swap3A_156 = arith.constant 0 : index
        %swap3A_157 = vector.load %arg9[%swap3A_154, %swap3A_155, %swap3A_156] : memref<8x256x512xf32, #tpu.memory_space<vmem>>, vector<1x256x512xf32>
        %swap3A_158 = vector.shape_cast %swap3A_157 : vector<1x256x512xf32> to vector<256x512xf32>
        %swap3A_159 = vector.shape_cast %squeeze3A_153 : vector<256x512xf32> to vector<1x256x512xf32>
        tpu.vector_store %arg9[%swap3A_154, %swap3A_155, %swap3A_156], %swap3A_159 {strides = array<i32>} : memref<8x256x512xf32, #tpu.memory_space<vmem>>, vector<1x256x512xf32>,
        %slice3A_160 = vector.extract_strided_slice %reshape3A_108 {offsets = [0, 5, 0], sizes = [256, 1, 512], strides = [1, 1, 1]} : vector<256x8x512xf32> to vector<256x1x512xf32>
        %squeeze3A_161 = vector.shape_cast %slice3A_160 : vector<256x1x512xf32> to vector<256x512xf32>
        %swap3A_162 = arith.constant 5 : index
        %swap3A_163 = arith.constant 0 : index
        %swap3A_164 = arith.constant 0 : index
        %swap3A_165 = vector.load %arg9[%swap3A_162, %swap3A_163, %swap3A_164] : memref<8x256x512xf32, #tpu.memory_space<vmem>>, vector<1x256x512xf32>
        %swap3A_166 = vector.shape_cast %swap3A_165 : vector<1x256x512xf32> to vector<256x512xf32>
        %swap3A_167 = vector.shape_cast %squeeze3A_161 : vector<256x512xf32> to vector<1x256x512xf32>
        tpu.vector_store %arg9[%swap3A_162, %swap3A_163, %swap3A_164], %swap3A_167 {strides = array<i32>} : memref<8x256x512xf32, #tpu.memory_space<vmem>>, vector<1x256x512xf32>,
        %slice3A_168 = vector.extract_strided_slice %reshape3A_108 {offsets = [0, 6, 0], sizes = [256, 1, 512], strides = [1, 1, 1]} : vector<256x8x512xf32> to vector<256x1x512xf32>
        %squeeze3A_169 = vector.shape_cast %slice3A_168 : vector<256x1x512xf32> to vector<256x512xf32>
        %swap3A_170 = arith.constant 6 : index
        %swap3A_171 = arith.constant 0 : index
        %swap3A_172 = arith.constant 0 : index
        %swap3A_173 = vector.load %arg9[%swap3A_170, %swap3A_171, %swap3A_172] : memref<8x256x512xf32, #tpu.memory_space<vmem>>, vector<1x256x512xf32>
        %swap3A_174 = vector.shape_cast %swap3A_173 : vector<1x256x512xf32> to vector<256x512xf32>
        %swap3A_175 = vector.shape_cast %squeeze3A_169 : vector<256x512xf32> to vector<1x256x512xf32>
        tpu.vector_store %arg9[%swap3A_170, %swap3A_171, %swap3A_172], %swap3A_175 {strides = array<i32>} : memref<8x256x512xf32, #tpu.memory_space<vmem>>, vector<1x256x512xf32>,
        %slice3A_176 = vector.extract_strided_slice %reshape3A_108 {offsets = [0, 7, 0], sizes = [256, 1, 512], strides = [1, 1, 1]} : vector<256x8x512xf32> to vector<256x1x512xf32>
        %squeeze3A_177 = vector.shape_cast %slice3A_176 : vector<256x1x512xf32> to vector<256x512xf32>
        %swap3A_178 = arith.constant 7 : index
        %swap3A_179 = arith.constant 0 : index
        %swap3A_180 = arith.constant 0 : index
        %swap3A_181 = vector.load %arg9[%swap3A_178, %swap3A_179, %swap3A_180] : memref<8x256x512xf32, #tpu.memory_space<vmem>>, vector<1x256x512xf32>
        %swap3A_182 = vector.shape_cast %swap3A_181 : vector<1x256x512xf32> to vector<256x512xf32>
        %swap3A_183 = vector.shape_cast %squeeze3A_177 : vector<256x512xf32> to vector<1x256x512xf32>
        tpu.vector_store %arg9[%swap3A_178, %swap3A_179, %swap3A_180], %swap3A_183 {strides = array<i32>} : memref<8x256x512xf32, #tpu.memory_space<vmem>>, vector<1x256x512xf32>,
        %mul3A = arith.constant 8 : i32
        %mul3A_184 = arith.muli %select_n3A_28, %mul3A : i32
        %add3A_185 = arith.constant 50 : i32
        %add3A_186 = arith.addi %add3A_185, %mul3A_184 : i32
        %mul3A_187 = arith.constant 256 : i32
        %mul3A_188 = arith.muli %select_n3A, %mul3A_187 : i32
        %dma_start3A = arith.constant 0 : i32
        %dma_start3A_189 = tpu.memref_slice %arg5[%add3A_186, %mul3A_188, %dma_start3A] : memref<250x1024x512xf32, #tpu.memory_space<any>> -> memref<8x256x512xf32, #tpu.memory_space<any>>
        tpu.enqueue_dma source(%arg9 : memref<8x256x512xf32, #tpu.memory_space<vmem>>) target(%dma_start3A_189 : memref<8x256x512xf32, #tpu.memory_space<any>>) target_semaphore(%arg14 : memref<!tpu.dma_semaphore, #tpu.memory_space<semaphore_mem>>)
      } else {
      }
      %eq3A_114 = arith.constant 1 : i32
      %eq3A_115 = arith.cmpi eq, %select_n3A_63, %eq3A_114 : i32
      %convert_element_type3A_116 = arith.extui %eq3A_115 : i1 to i32
      %cond3A_117 = arith.constant 0 : i32
      %cond3A_118 = arith.cmpi ne, %convert_element_type3A_116, %cond3A_117 : i32
      scf.if %cond3A_118 {
        %ge3A = arith.constant 2 : i32
        %ge3A_119 = arith.cmpi sge, %arg0, %ge3A : i32
        %convert_element_type3A_120 = arith.extui %ge3A_119 : i1 to i32
        %cond3A_121 = arith.constant 0 : i32
        %cond3A_122 = arith.cmpi ne, %convert_element_type3A_120, %cond3A_121 : i32
        scf.if %cond3A_122 {
          %dma_wait3A_190 = arith.constant 0 : i32
          %dma_wait3A_191 = arith.constant 0 : i32
          %dma_wait3A_192 = arith.constant 0 : i32
          %dma_wait3A_193 = tpu.memref_slice %arg5[%dma_wait3A_190, %dma_wait3A_191, %dma_wait3A_192] : memref<250x1024x512xf32, #tpu.memory_space<any>> -> memref<8x256x512xf32, #tpu.memory_space<any>>
          tpu.wait_dma2 semaphore(%arg15 : memref<!tpu.dma_semaphore, #tpu.memory_space<semaphore_mem>>) src(%arg10 : memref<8x256x512xf32, #tpu.memory_space<vmem>>) dst(%dma_wait3A_193 : memref<8x256x512xf32, #tpu.memory_space<any>>)
        } else {
        }
        %slice3A = vector.extract_strided_slice %reshape3A_108 {offsets = [0, 0, 0], sizes = [256, 1, 512], strides = [1, 1, 1]} : vector<256x8x512xf32> to vector<256x1x512xf32>
        %squeeze3A = vector.shape_cast %slice3A : vector<256x1x512xf32> to vector<256x512xf32>
        %swap3A = arith.constant 0 : index
        %swap3A_123 = arith.constant 0 : index
        %swap3A_124 = arith.constant 0 : index
        %swap3A_125 = vector.load %arg10[%swap3A, %swap3A_123, %swap3A_124] : memref<8x256x512xf32, #tpu.memory_space<vmem>>, vector<1x256x512xf32>
        %swap3A_126 = vector.shape_cast %swap3A_125 : vector<1x256x512xf32> to vector<256x512xf32>
        %swap3A_127 = vector.shape_cast %squeeze3A : vector<256x512xf32> to vector<1x256x512xf32>
        tpu.vector_store %arg10[%swap3A, %swap3A_123, %swap3A_124], %swap3A_127 {strides = array<i32>} : memref<8x256x512xf32, #tpu.memory_space<vmem>>, vector<1x256x512xf32>,
        %slice3A_128 = vector.extract_strided_slice %reshape3A_108 {offsets = [0, 1, 0], sizes = [256, 1, 512], strides = [1, 1, 1]} : vector<256x8x512xf32> to vector<256x1x512xf32>
        %squeeze3A_129 = vector.shape_cast %slice3A_128 : vector<256x1x512xf32> to vector<256x512xf32>
        %swap3A_130 = arith.constant 1 : index
        %swap3A_131 = arith.constant 0 : index
        %swap3A_132 = arith.constant 0 : index
        %swap3A_133 = vector.load %arg10[%swap3A_130, %swap3A_131, %swap3A_132] : memref<8x256x512xf32, #tpu.memory_space<vmem>>, vector<1x256x512xf32>
        %swap3A_134 = vector.shape_cast %swap3A_133 : vector<1x256x512xf32> to vector<256x512xf32>
        %swap3A_135 = vector.shape_cast %squeeze3A_129 : vector<256x512xf32> to vector<1x256x512xf32>
        tpu.vector_store %arg10[%swap3A_130, %swap3A_131, %swap3A_132], %swap3A_135 {strides = array<i32>} : memref<8x256x512xf32, #tpu.memory_space<vmem>>, vector<1x256x512xf32>,
        %slice3A_136 = vector.extract_strided_slice %reshape3A_108 {offsets = [0, 2, 0], sizes = [256, 1, 512], strides = [1, 1, 1]} : vector<256x8x512xf32> to vector<256x1x512xf32>
        %squeeze3A_137 = vector.shape_cast %slice3A_136 : vector<256x1x512xf32> to vector<256x512xf32>
        %swap3A_138 = arith.constant 2 : index
        %swap3A_139 = arith.constant 0 : index
        %swap3A_140 = arith.constant 0 : index
        %swap3A_141 = vector.load %arg10[%swap3A_138, %swap3A_139, %swap3A_140] : memref<8x256x512xf32, #tpu.memory_space<vmem>>, vector<1x256x512xf32>
        %swap3A_142 = vector.shape_cast %swap3A_141 : vector<1x256x512xf32> to vector<256x512xf32>
        %swap3A_143 = vector.shape_cast %squeeze3A_137 : vector<256x512xf32> to vector<1x256x512xf32>
        tpu.vector_store %arg10[%swap3A_138, %swap3A_139, %swap3A_140], %swap3A_143 {strides = array<i32>} : memref<8x256x512xf32, #tpu.memory_space<vmem>>, vector<1x256x512xf32>,
        %slice3A_144 = vector.extract_strided_slice %reshape3A_108 {offsets = [0, 3, 0], sizes = [256, 1, 512], strides = [1, 1, 1]} : vector<256x8x512xf32> to vector<256x1x512xf32>
        %squeeze3A_145 = vector.shape_cast %slice3A_144 : vector<256x1x512xf32> to vector<256x512xf32>
        %swap3A_146 = arith.constant 3 : index
        %swap3A_147 = arith.constant 0 : index
        %swap3A_148 = arith.constant 0 : index
        %swap3A_149 = vector.load %arg10[%swap3A_146, %swap3A_147, %swap3A_148] : memref<8x256x512xf32, #tpu.memory_space<vmem>>, vector<1x256x512xf32>
        %swap3A_150 = vector.shape_cast %swap3A_149 : vector<1x256x512xf32> to vector<256x512xf32>
        %swap3A_151 = vector.shape_cast %squeeze3A_145 : vector<256x512xf32> to vector<1x256x512xf32>
        tpu.vector_store %arg10[%swap3A_146, %swap3A_147, %swap3A_148], %swap3A_151 {strides = array<i32>} : memref<8x256x512xf32, #tpu.memory_space<vmem>>, vector<1x256x512xf32>,
        %slice3A_152 = vector.extract_strided_slice %reshape3A_108 {offsets = [0, 4, 0], sizes = [256, 1, 512], strides = [1, 1, 1]} : vector<256x8x512xf32> to vector<256x1x512xf32>
        %squeeze3A_153 = vector.shape_cast %slice3A_152 : vector<256x1x512xf32> to vector<256x512xf32>
        %swap3A_154 = arith.constant 4 : index
        %swap3A_155 = arith.constant 0 : index
        %swap3A_156 = arith.constant 0 : index
        %swap3A_157 = vector.load %arg10[%swap3A_154, %swap3A_155, %swap3A_156] : memref<8x256x512xf32, #tpu.memory_space<vmem>>, vector<1x256x512xf32>
        %swap3A_158 = vector.shape_cast %swap3A_157 : vector<1x256x512xf32> to vector<256x512xf32>
        %swap3A_159 = vector.shape_cast %squeeze3A_153 : vector<256x512xf32> to vector<1x256x512xf32>
        tpu.vector_store %arg10[%swap3A_154, %swap3A_155, %swap3A_156], %swap3A_159 {strides = array<i32>} : memref<8x256x512xf32, #tpu.memory_space<vmem>>, vector<1x256x512xf32>,
        %slice3A_160 = vector.extract_strided_slice %reshape3A_108 {offsets = [0, 5, 0], sizes = [256, 1, 512], strides = [1, 1, 1]} : vector<256x8x512xf32> to vector<256x1x512xf32>
        %squeeze3A_161 = vector.shape_cast %slice3A_160 : vector<256x1x512xf32> to vector<256x512xf32>
        %swap3A_162 = arith.constant 5 : index
        %swap3A_163 = arith.constant 0 : index
        %swap3A_164 = arith.constant 0 : index
        %swap3A_165 = vector.load %arg10[%swap3A_162, %swap3A_163, %swap3A_164] : memref<8x256x512xf32, #tpu.memory_space<vmem>>, vector<1x256x512xf32>
        %swap3A_166 = vector.shape_cast %swap3A_165 : vector<1x256x512xf32> to vector<256x512xf32>
        %swap3A_167 = vector.shape_cast %squeeze3A_161 : vector<256x512xf32> to vector<1x256x512xf32>
        tpu.vector_store %arg10[%swap3A_162, %swap3A_163, %swap3A_164], %swap3A_167 {strides = array<i32>} : memref<8x256x512xf32, #tpu.memory_space<vmem>>, vector<1x256x512xf32>,
        %slice3A_168 = vector.extract_strided_slice %reshape3A_108 {offsets = [0, 6, 0], sizes = [256, 1, 512], strides = [1, 1, 1]} : vector<256x8x512xf32> to vector<256x1x512xf32>
        %squeeze3A_169 = vector.shape_cast %slice3A_168 : vector<256x1x512xf32> to vector<256x512xf32>
        %swap3A_170 = arith.constant 6 : index
        %swap3A_171 = arith.constant 0 : index
        %swap3A_172 = arith.constant 0 : index
        %swap3A_173 = vector.load %arg10[%swap3A_170, %swap3A_171, %swap3A_172] : memref<8x256x512xf32, #tpu.memory_space<vmem>>, vector<1x256x512xf32>
        %swap3A_174 = vector.shape_cast %swap3A_173 : vector<1x256x512xf32> to vector<256x512xf32>
        %swap3A_175 = vector.shape_cast %squeeze3A_169 : vector<256x512xf32> to vector<1x256x512xf32>
        tpu.vector_store %arg10[%swap3A_170, %swap3A_171, %swap3A_172], %swap3A_175 {strides = array<i32>} : memref<8x256x512xf32, #tpu.memory_space<vmem>>, vector<1x256x512xf32>,
        %slice3A_176 = vector.extract_strided_slice %reshape3A_108 {offsets = [0, 7, 0], sizes = [256, 1, 512], strides = [1, 1, 1]} : vector<256x8x512xf32> to vector<256x1x512xf32>
        %squeeze3A_177 = vector.shape_cast %slice3A_176 : vector<256x1x512xf32> to vector<256x512xf32>
        %swap3A_178 = arith.constant 7 : index
        %swap3A_179 = arith.constant 0 : index
        %swap3A_180 = arith.constant 0 : index
        %swap3A_181 = vector.load %arg10[%swap3A_178, %swap3A_179, %swap3A_180] : memref<8x256x512xf32, #tpu.memory_space<vmem>>, vector<1x256x512xf32>
        %swap3A_182 = vector.shape_cast %swap3A_181 : vector<1x256x512xf32> to vector<256x512xf32>
        %swap3A_183 = vector.shape_cast %squeeze3A_177 : vector<256x512xf32> to vector<1x256x512xf32>
        tpu.vector_store %arg10[%swap3A_178, %swap3A_179, %swap3A_180], %swap3A_183 {strides = array<i32>} : memref<8x256x512xf32, #tpu.memory_space<vmem>>, vector<1x256x512xf32>,
        %mul3A = arith.constant 8 : i32
        %mul3A_184 = arith.muli %select_n3A_28, %mul3A : i32
        %add3A_185 = arith.constant 50 : i32
        %add3A_186 = arith.addi %add3A_185, %mul3A_184 : i32
        %mul3A_187 = arith.constant 256 : i32
        %mul3A_188 = arith.muli %select_n3A, %mul3A_187 : i32
        %dma_start3A = arith.constant 0 : i32
        %dma_start3A_189 = tpu.memref_slice %arg5[%add3A_186, %mul3A_188, %dma_start3A] : memref<250x1024x512xf32, #tpu.memory_space<any>> -> memref<8x256x512xf32, #tpu.memory_space<any>>
        tpu.enqueue_dma source(%arg10 : memref<8x256x512xf32, #tpu.memory_space<vmem>>) target(%dma_start3A_189 : memref<8x256x512xf32, #tpu.memory_space<any>>) target_semaphore(%arg15 : memref<!tpu.dma_semaphore, #tpu.memory_space<semaphore_mem>>)
      } else {
      }
    } else {
    }
    %eq3A_79 = arith.constant 99 : i32
    %eq3A_80 = arith.cmpi eq, %arg0, %eq3A_79 : i32
    %convert_element_type3A_81 = arith.extui %eq3A_80 : i1 to i32
    %cond3A_82 = arith.constant 0 : i32
    %cond3A_83 = arith.cmpi ne, %convert_element_type3A_81, %cond3A_82 : i32
    scf.if %cond3A_83 {
      %dma_wait3A = arith.constant 0 : i32
      %dma_wait3A_84 = arith.constant 0 : i32
      %dma_wait3A_85 = arith.constant 0 : i32
      %dma_wait3A_86 = tpu.memref_slice %arg5[%dma_wait3A, %dma_wait3A_84, %dma_wait3A_85] : memref<250x1024x512xf32, #tpu.memory_space<any>> -> memref<8x256x512xf32, #tpu.memory_space<any>>
      tpu.wait_dma2 semaphore(%arg14 : memref<!tpu.dma_semaphore, #tpu.memory_space<semaphore_mem>>) src(%arg9 : memref<8x256x512xf32, #tpu.memory_space<vmem>>) dst(%dma_wait3A_86 : memref<8x256x512xf32, #tpu.memory_space<any>>)
      %dma_wait3A_87 = arith.constant 0 : i32
      %dma_wait3A_88 = arith.constant 0 : i32
      %dma_wait3A_89 = arith.constant 0 : i32
      %dma_wait3A_90 = tpu.memref_slice %arg5[%dma_wait3A_87, %dma_wait3A_88, %dma_wait3A_89] : memref<250x1024x512xf32, #tpu.memory_space<any>> -> memref<8x256x512xf32, #tpu.memory_space<any>>
      tpu.wait_dma2 semaphore(%arg15 : memref<!tpu.dma_semaphore, #tpu.memory_space<semaphore_mem>>) src(%arg10 : memref<8x256x512xf32, #tpu.memory_space<vmem>>) dst(%dma_wait3A_90 : memref<8x256x512xf32, #tpu.memory_space<any>>)
    } else {
    }
    return
  }
  func.func @transform_2(%arg0: i32) -> (i32, i32) {
    %c0_i32 = arith.constant 0 : i32
    %c0_i32_0 = arith.constant 0 : i32
    %c0_i32_1 = arith.constant 0 : i32
    return %c0_i32, %c0_i32_0 : i32, i32
  }
  func.func @transform_3(%arg0: i32) -> (i32, i32) {
    %c0_i32 = arith.constant 0 : i32
    %c0_i32_0 = arith.constant 0 : i32
    %c0_i32_1 = arith.constant 0 : i32
    return %c0_i32, %c0_i32_0 : i32, i32
  }
}

</mosaic_0001>

<sc_bundles>
// kernel: kernel.4.cloned.1.call-start
scs
__scs_entry_jumppad:
0x0: {  	(pc) =	sbr.rel $0x88, $3  }
0x1: {  	(tag) =	ssettag $0x0;
	lr =	simm.s32 $0x1  }
0x2: {  	[smem:$0x3F9C] =	sst lr;
	_ =	strace $0xD0000000  }
0x3: {  	_ = 	snop  }
0x4: {  	_ = 	snop  }
0x5: {  	_ = 	snop  }
0x6: {  	_ = 	snop  }
0x7: {  	_ = 	snop  }
__scs_overlays_trampoline_lowered:
0x8: {  	[smem:$0x3FAB] =	sst s0  }
0x9: {  	[smem:$0x3FAC] =	sst s1  }
0xa: {  	[smem:$0x3FAD] =	sst s2  }
0xb: {  	[smem:$0x3FAE] =	sst s3  }
0xc: {  	[smem:$0x3FAF] =	sst s4  }
0xd: {  	[smem:$0x3FB0] =	sst s5  }
0xe: {  	[smem:$0x3FB1] =	sst s6  }
0xf: {  	[smem:$0x3FB2] =	sst s7  }
0x10: {  	[smem:$0x3FB3] =	sst s8  }
0x11: {  	[smem:$0x3FB4] =	sst s9;
	s0 =	simm.s32 @!p0 $0x0  }
0x12: {  	s1 =	sld [smem:$0x3F9A];
	s0 =	simm.s32 @p0 $0x1  }
0x13: {  	[smem:$0x3FB5] =	sst s0;
	s0 =	simm.s32 @!p1 $0x0  }
0x14: {  	s2 =	sld [smem:$0x3F99];
	s0 =	simm.s32 @p1 $0x1  }
0x15: {  	[smem:$0x3FB6] =	sst s0;
	s0 =	simm.s32 @!p2 $0x0  }
0x16: {  	s3 =	sld [smem:$0x3FDB];
	s0 =	simm.s32 @p2 $0x1  }
0x17: {  	s4 =	simm.s32 $0x1BF5;
	[smem:$0x3FB8] =	sst s0  }
0x18: {  	s0 =	sld [smem:$0x3F9B];
	_ =	swait.ge [sflag:s4], $0x0  }
0x19: {  	s7 =	sld [smem:$0x3F9C]  }
0x1a: {  	s8 =	sadd.s32 $0xFFFFE003, lr  }
0x1b: {  	s9 =	sadd.s32 $0xFFFFFEF7, lr;
	s5 =	simm.s32 $0xFFFFFFFF;
	p2 =	slt.u32 s8, $0xFFFFF086  }
0x1c: {  	p1 =	slt.u32 s9, $0xF7A;
	s5 =	simm.s32 @!p2 $0x0  }
0x1d: {  	s5 =	simm.s32 @p1 $0x1;
	p0 =	seq.s32 s7, s2  }
0x1e: {  	s7 =	smul.u32 @!p0 $0xF7A, s2;
	p2 =	seq.s32 @!p0 s5, $0x0  }
0x1f: {  	s9 =	smul.u32 $0xF7A, s1;
	s8 =	simm.s32 @!p0 $0x1BF5;
	p2 =	por !p2, p0  }
0x20: {  	[sflag:s8] =	ssyncset.s32 @!p0 $0xFFFFF086;
	s6 =	sadd.s32 @!p0 s3, s7;
	s7 =	simm.s32 @!p0 $0x108  }
0x21: {  	s3 =	sadd.s32 s3, s9;
	s6 =	sadd.s32 @!p0 $0x88, s6;
	s7 =	simm.s32 @p2 $0x1082  }
0x22: {  	[simem:s7], [sflag:s8] =	dma.local @!p0 [hbm:s6], $0xF7A  }
0x23: {  	s9 =	sor.u32 $0xD0000000, s2;
	s6 =	simm.s32 $0x108;
	_ =	swait.ge @!p0 [sflag:s8], $0x0  }
0x24: {  	s3 =	sadd.s32 $0x88, s3;
	s6 =	simm.s32 @!p1 $0x1082;
	[sflag:s4] =	ssyncset.s32 $0xFFFFF086  }
0x25: {  	[simem:s6], [sflag:s4] =	dma.local [hbm:s3], $0xF7A  }
0x26: {  	[smem:$0x3F9C] =	sst s1;
	(tag) =	ssettag s2;
	_ =	strace s9  }
0x27: {  	s1 =	sld [smem:$0x3FAC]  }
0x28: {  	s2 =	sld [smem:$0x3FAD]  }
0x29: {  	s4 =	sld [smem:$0x3FAF]  }
0x2a: {  	p0 =	seq.s32 s5, $0x0;
	s5 =	sld [smem:$0x3FB0]  }
0x2b: {  	s6 =	sld [smem:$0x3FB1]  }
0x2c: {  	s7 =	sld [smem:$0x3FB2]  }
0x2d: {  	s3 =	simm.s32 $0x108;
	s8 =	sld [smem:$0x3FB3]  }
0x2e: {  	s3 =	simm.s32 @!p0 $0x1082;
	s9 =	sld [smem:$0x3FB4]  }
0x2f: {  	lr =	sadd.s32 s0, s3;
	s0 =	sld [smem:$0x3FAB]  }
0x30: {  	s3 =	sld [smem:$0x3FAE]  }
0x31: {  	[smem:$0x3FB7] =	sst s10  }
0x32: {  	s10 =	sld [smem:$0x3FB5];
	_ =	sdelay $0x3  }
0x33: {  	p0 =	seq.s32 s10, $0x1;
	s10 =	sld [smem:$0x3FB7];
	_ =	sdelay $0x3  }
0x34: {  	[smem:$0x3FB7] =	sst s10  }
0x35: {  	s10 =	sld [smem:$0x3FB6];
	_ =	sdelay $0x3  }
0x36: {  	p1 =	seq.s32 s10, $0x1;
	s10 =	sld [smem:$0x3FB7];
	_ =	sdelay $0x3  }
0x37: {  	[smem:$0x3FB7] =	sst s10  }
0x38: {  	s10 =	sld [smem:$0x3FB8]  }
0x39: {  	_ = 	snop;
	(pc) =	sbr.ind lr, $3  }
0x3a: {  	_ = 	snop  }
0x3b: {  	_ = 	snop  }
0x3c: {  	p2 =	seq.s32 s10, $0x1;
	s10 =	sld [smem:$0x3FB7]  }
0x3d: {  	_ =	shalt  }
0x3e: {  	_ =	shalt  }
0x3f: {  	_ =	shalt  }
0x40: {  	_ =	shalt  }
0x41: {  	_ =	shalt  }
0x42: {  	_ =	shalt  }
0x43: {  	_ =	shalt  }
0x44: {  	_ =	shalt  }
0x45: {  	_ =	shalt  }
0x46: {  	_ =	shalt  }
0x47: {  	_ =	shalt  }
0x48: {  	_ =	shalt  }
0x49: {  	_ =	shalt  }
0x4a: {  	_ =	shalt  }
0x4b: {  	_ =	shalt  }
0x4c: {  	_ =	shalt  }
0x4d: {  	_ =	shalt  }
0x4e: {  	_ =	shalt  }
0x4f: {  	_ =	shalt  }
0x50: {  	_ =	shalt  }
0x51: {  	_ =	shalt  }
0x52: {  	_ =	shalt  }
0x53: {  	_ =	shalt  }
0x54: {  	_ =	shalt  }
0x55: {  	_ =	shalt  }
0x56: {  	_ =	shalt  }
0x57: {  	_ =	shalt  }
0x58: {  	_ =	shalt  }
0x59: {  	_ =	shalt  }
0x5a: {  	_ =	shalt  }
0x5b: {  	_ =	shalt  }
0x5c: {  	_ =	shalt  }
0x5d: {  	_ =	shalt  }
0x5e: {  	_ =	shalt  }
0x5f: {  	_ =	shalt  }
0x60: {  	_ =	shalt  }
0x61: {  	_ =	shalt  }
0x62: {  	_ =	shalt  }
0x63: {  	_ =	shalt  }
0x64: {  	_ =	shalt  }
0x65: {  	_ =	shalt  }
0x66: {  	_ =	shalt  }
0x67: {  	_ =	shalt  }
0x68: {  	_ =	shalt  }
0x69: {  	_ =	shalt  }
0x6a: {  	_ =	shalt  }
0x6b: {  	_ =	shalt  }
0x6c: {  	_ =	shalt  }
0x6d: {  	_ =	shalt  }
0x6e: {  	_ =	shalt  }
0x6f: {  	_ =	shalt  }
0x70: {  	_ =	shalt  }
0x71: {  	_ =	shalt  }
0x72: {  	_ =	shalt  }
0x73: {  	_ =	shalt  }
0x74: {  	_ =	shalt  }
0x75: {  	_ =	shalt  }
0x76: {  	_ =	shalt  }
0x77: {  	_ =	shalt  }
0x78: {  	_ =	shalt  }
0x79: {  	_ =	shalt  }
0x7a: {  	_ =	shalt  }
0x7b: {  	_ =	shalt  }
0x7c: {  	_ =	shalt  }
0x7d: {  	_ =	shalt  }
0x7e: {  	_ =	shalt  }
0x7f: {  	_ =	shalt  }
0x80: {  	_ =	shalt  }
0x81: {  	_ =	shalt  }
0x82: {  	_ =	shalt  }
0x83: {  	_ =	shalt  }
0x84: {  	_ =	shalt  }
0x85: {  	_ =	shalt  }
0x86: {  	_ =	shalt  }
0x87: {  	_ =	shalt  }
.Lfunc_end0:
.L_simem_size_0:
called_computation_lowered:
.L_overlay_start_0:
0x88: {  	s2 =	sld [smem:$0x3FD9]  }
0x89: {  	s3 =	sld [smem:$0x3FFE];
	_ =	sdelay $0x1  }
0x8a: {  	s1 =	srdreg.scid  }
0x8b: {  	s0 =	sand.u32 $0x1, s1  }
0x8c: {  	s17 =	sshll.u32 s0, $0xA;
	s2 =	sadd.s32 s3, s2  }
0x8d: {  	s2 =	sadd.s32 s2, s17  }
0x8e: {  	[smem:$0x3FC3] =	sst s2  }
0x8f: {  	_ = 	snop  }
0x90: {  	s2 =	sld [smem:$0x3FC7]  }
0x91: {  	s18 =	sld [smem:$0x3FD0];
	(tm) =	ssettm $0x1  }
0x92: {  	s4 =	sld [smem:$0x3FFB];
	_ =	sdelay $0x3  }
0x93: {  	_ =	strace s4  }
0x94: {  	s4 =	sld [smem:$0x3FFC];
	_ =	sdelay $0x3  }
0x95: {  	_ =	strace s4  }
0x96: {  	s4 =	sld [smem:$0x3FFD];
	_ =	sdelay $0x3  }
0x97: {  	_ =	strace s4  }
0x98: {  	_ =	strace $0x8FFFFFFF  }
0x99: {  	s19 =	sld [smem:$0x3FDB];
	_ =	sdelay $0x1  }
0x9a: {  	s5 =	simm.s32 $_scs_section_size  }
0x9b: {  	s6 =	simm.s32 $_size__tile_overlayer_lowered;
	s7 =	simm.s32 $_tile_overlayer_lowered  }
0x9c: {  	s22 =	simm.s32 $0x1BFF;
	s21 =	sshll.u32 s7, $0x1;
	s4 =	sadd.s32 s5, s19  }
0x9d: {  	s8 =	simm.s32 $0x0;
	s20 =	sshll.u32 s6, $0x1;
	s6 =	sadd.s32 s21, s4  }
0x9e: {  	[timem:s8], [sflag:s22] =	dma.local [hbm:s6], s20  }
0x9f: {  	_ =	swait.ge [sflag:s22], s20  }
0xa0: {  	s5 =	ssub.s32 $0x0, s20;
	[sflag:s22] =	ssyncset.done $0x0  }
0xa1: {  	[sflag:s22] =	ssyncadd.s32 s5;
	_ =	sdelay $0x1  }
0xa2: {  	s23 =	simm.s32 $0x1B8B  }
0xa3: {  	_ =	swait.ge [sflag:s23], $0x1  }
0xa4: {  	[sflag:s23] =	ssyncset.done $0x0  }
0xa5: {  	s25 =	simm.s32 $0x1B8E;
	s24 =	sld [smem:$0x3FFE];
	[sflag:s23] =	ssyncadd.s32 $0xFFFFFFFF  }
0xa6: {  	s26 =	simm.s32 $execute0_lowered;
	[smem:$0x3FD2] =	sst s25  }
0xa7: {  	s6 =	sshll.u32 s26, $0x1;
	_ =	strace $0x80000046;
	[dreg:$0x1] =	wrdreg $0xFFFFFFFF  }
0xa8: {  	s28 =	simm.s32 $_size_execute0_lowered;
	s4 =	sadd.s32 s4, s6;
	[dreg:$0x0] =	wrdreg $0x0  }
0xa9: {  	s6 =	sshll.u32 s28, $0x1;
	[dreg:$0x2] =	wrdreg s4  }
0xaa: {  	[dreg:$0x3] =	wrdreg s6  }
0xab: {  	[dreg:$0x4] =	wrdreg $0xC0  }
0xac: {  	_ =	task [dreg:s8], $0x5FFFF  }
0xad: {  	[dreg:$0x1] =	wrdreg $0xFFFFFFFF  }
0xae: {  	[dreg:$0x0] =	wrdreg $0x60  }
0xaf: {  	[dreg:$0x2] =	wrdreg s2  }
0xb0: {  	[dreg:$0x3] =	wrdreg s24  }
0xb1: {  	[dreg:$0x4] =	wrdreg s18  }
0xb2: {  	[dreg:$0x5] =	wrdreg $0x9  }
0xb3: {  	_ =	task.clear_ibuf [dreg:s8], $0x6FFFF;
	_ =	strace $0x90000046  }
0xb4: {  	s29 =	simm.s32 $0x9;
	_ =	strace $0x80000048  }
0xb5: {  	_ =	swait.ge [sflag:s29], $0x1  }
0xb6: {  	[sflag:s29] =	ssyncadd.s32 $0xFFFFFFFF  }
0xb7: {  	_ =	strace $0x90000048  }
0xb8: {  	_ =	sfence  }
0xb9: {  	s30 =	sld [smem:$0x0];
	_ =	sdelay $0x2  }
0xba: {  	s31 =	sshll.u32 s1, $0xD;
	s1 =	sshrl.u32 s1, $0x2  }
0xbb: {  	s3 =	sand.u32 $0x4000, s31;
	s1 =	sadd.s32 s1, s30  }
0xbc: {  	s0 =	sor.u32 s3, s0;
	s1 =	sshll.u32 s1, $0x11  }
0xbd: {  	s0 =	sor.u32 s1, s0  }
0xbe: {  	s0 =	sadd.s32 $0x8F2B, s0  }
0xbf: {  	[sflag:s0] =	ssyncadd.remote.s32 $0x1  }
0xc0: {  	_ =	sfence.sel $0xFFFF  }
0xc1: {  	[dreg:$0x0] =	wrdreg $0xFFFFFFFF;
	(pc) =	sbr.abs _section_cstart, $3  }
0xc2: {  	[dreg:$0x1] =	wrdreg $0xFFFFFFFF  }
0xc3: {  	_ =	task.clear_ibuf [dreg:s8], $0x2FFFF;
	_ =	strace $0x9FFFFFFF  }
0xc4: {  	(tm) =	ssettm $0x7FFFFFFF  }
0xc5: {  	_ =	shalt  }
tec
execute0_lowered:
.L_overlay_start_1:
0x0: {  	(tag) =	ssettag $0x1  }
0x1: {  	s1 =	rddreg [dreg:$0x0]  }
0x2: {  	s0 =	rddreg [dreg:$0x1];
	s13 =	simm.s32 $0x0;
	s2 =	srdreg.scid  }
0x3: {  	s4 =	stileid.u32;
	s9 =	simm.s32 $0x2;
	s10 =	simm.s32 $0x100  }
0x4: {  	s21 =	simm.s32 $0x12100;
	s22 =	simm.s32 $0x12900;
	s23 =	simm.s32 $0x13100  }
0x5: {  	s24 =	simm.s32 $0x13900;
	s28 =	simm.s32 $0x15100;
	s29 =	simm.s32 $0x15900  }
0x6: {  	s30 =	simm.s32 $0x16100;
	s31 =	simm.s32 $0x16900;
	s8 =	simm.s32 $0x18100  }
0x7: {  	s11 =	simm.s32 $0x1000;
	s12 =	simm.s32 $0x80000;
	[smem:$0x7FF] =	sst s13  }
0x8: {  	s2 =	sand.u32 $0x1, s2;
	s5 =	sadd.s32 $0x800, s0;
	s26 =	sshll.u32 s4, $0x3  }
0x9: {  	s7 =	sadd.s32 $0x100, s1;
	s4 =	simm.s32 $0x17900;
	s3 =	ssub.s32 $0x2, s2  }
0xa: {  	_ =	strace $0x80000047;
	s2 =	sshll.u32 s2, $0x2;
	s25 =	sshrl.u32 s3, $0x1  }
0xb: {  	v2 =	vlaneseq.u32;
	s6 =	sor.u32 s2, s26;
	s26 =	simm.s32 $0x14900;
	s0 =	ssub.s32 s3, s25  }
0xc: {  	vm0 =	vmmov $0xffff;
	v1 =	vshrl.u32 v2, $0x3;
	s2 =	simm.s32 $0x1;
	s25 =	simm.s32 $0x14100;
	s0 =	smax.u32 s0, $0x1  }
0xd: {  	v0 =	vand.u32 $0x7, v2;
	v2 =	vor.u32 $0x8, v2;
	v1 =	vmul.u32 $0x8, v1;
	s3 =	simm.s32 $0x18900;
	[dreg:$0x5] =	wrdreg s0;
	s0 =	simm.s32 $0x17100  }
.LBB2_1:
0xe: {  	[dreg:$0x4] =	wrdreg s13;
	s13 =	simm.s32 $0x0  }
.LBB2_2:
0xf: {  	s14 =	sshrl.u32 s13, $0x1;
	s15 =	sand.u32 $0x1, s13  }
0x10: {  	s14 =	sadd.s32 s6, s14;
	s17 =	smul.u32 $0xC8, s15  }
0x11: {  	s16 =	smul.u32 $0x190, s14;
	_ =	sdelay $0x1  }
0x12: {  	s16 =	sadd.s32 s17, s16  }
0x13: {  	s16 =	sshrl.u32 s16, $0x3  }
0x14: {  	s20 =	sadd.s32 s5, s16;
	s16 =	simm.s32 $0x0  }
0x15: {  	[tilespmem:s16], [sflag:$0x2] =	stream.linear.gather [hbm4b:s20+s16], $0xC8, $0x38;
	[tilespmem:$0x19100] =	vst v63  }
0x16: {  	_ =	swait.ge [sflag:s9], $0xC8  }
0x17: {  	[sflag:s9] =	ssyncset.done $0x0  }
0x18: {  	[sflag:s9] =	ssyncadd.s32 $0xFFFFFF38  }
0x19: {  	v3 =	vld [tilespmem:$0x0];
	_ =	sdelay $0x4  }
0x1a: {  	v4 =	vshll.u32 v3, $0x2  }
0x1b: {  	v3 =	vand.u32 $0x7, v3;
	v4 =	vand.u32 $0xFFFFFFE0, v4  }
0x1c: {  	v3 =	vor.u32 v3, v4  }
0x1d: {  	v4 =	vperm.xlane v3, v0;
	_ =	sdelay $0x1  }
0x1e: {  	v4 =	vadd.s32 v1, v4;
	_ =	sdelay $0x1  }
0x1f: {  	v3 =	vperm.xlane v3, v2;
	_ =	sdelay $0x1  }
0x20: {  	v3 =	vadd.s32 v1, v3  }
0x21: {  	[tilespmem:s10], [sflag:$0x1] =	stream.indirect_vreg.gather [hbm4b:s1+s16], $0x80, v4, vm0, $0xb8;
	[tilespmem:$0x19100] =	vst v63  }
0x22: {  	s18 =	simm.s32 $0x900  }
0x23: {  	[tilespmem:s18], [sflag:$0x1] =	stream.indirect_vreg.gather [hbm4b:s7+s16], $0x80, v4, vm0, $0xb8;
	[tilespmem:$0x19100] =	vst v63  }
0x24: {  	s19 =	simm.s32 $0x1100  }
0x25: {  	[tilespmem:s19], [sflag:$0x1] =	stream.indirect_vreg.gather [hbm4b:s1+s16], $0x80, v3, vm0, $0xb8;
	[tilespmem:$0x19100] =	vst v63  }
0x26: {  	s20 =	simm.s32 $0x1900  }
0x27: {  	[tilespmem:s20], [sflag:$0x1] =	stream.indirect_vreg.gather [hbm4b:s7+s16], $0x80, v3, vm0, $0xb8;
	[tilespmem:$0x19100] =	vst v63  }
0x28: {  	v3 =	vld [tilespmem:$0x10];
	_ =	sdelay $0x4  }
0x29: {  	v4 =	vshll.u32 v3, $0x2  }
0x2a: {  	v3 =	vand.u32 $0x7, v3;
	v4 =	vand.u32 $0xFFFFFFE0, v4  }
0x2b: {  	v3 =	vor.u32 v3, v4  }
0x2c: {  	v4 =	vperm.xlane v3, v0;
	_ =	sdelay $0x1  }
0x2d: {  	v4 =	vadd.s32 v1, v4;
	_ =	sdelay $0x1  }
0x2e: {  	v3 =	vperm.xlane v3, v2;
	_ =	sdelay $0x1  }
0x2f: {  	s18 =	simm.s32 $0x2100;
	v3 =	vadd.s32 v1, v3  }
0x30: {  	[tilespmem:s18], [sflag:$0x1] =	stream.indirect_vreg.gather [hbm4b:s1+s16], $0x80, v4, vm0, $0xb8;
	[tilespmem:$0x19100] =	vst v63  }
0x31: {  	s19 =	simm.s32 $0x2900  }
0x32: {  	[tilespmem:s19], [sflag:$0x1] =	stream.indirect_vreg.gather [hbm4b:s7+s16], $0x80, v4, vm0, $0xb8;
	[tilespmem:$0x19100] =	vst v63  }
0x33: {  	s20 =	simm.s32 $0x3100  }
0x34: {  	[tilespmem:s20], [sflag:$0x1] =	stream.indirect_vreg.gather [hbm4b:s1+s16], $0x80, v3, vm0, $0xb8;
	[tilespmem:$0x19100] =	vst v63  }
0x35: {  	s18 =	simm.s32 $0x3900  }
0x36: {  	[tilespmem:s18], [sflag:$0x1] =	stream.indirect_vreg.gather [hbm4b:s7+s16], $0x80, v3, vm0, $0xb8;
	[tilespmem:$0x19100] =	vst v63  }
0x37: {  	v3 =	vld [tilespmem:$0x20];
	_ =	sdelay $0x4  }
0x38: {  	v4 =	vshll.u32 v3, $0x2  }
0x39: {  	v3 =	vand.u32 $0x7, v3;
	v4 =	vand.u32 $0xFFFFFFE0, v4  }
0x3a: {  	v3 =	vor.u32 v3, v4  }
0x3b: {  	v4 =	vperm.xlane v3, v0;
	_ =	sdelay $0x1  }
0x3c: {  	v4 =	vadd.s32 v1, v4;
	_ =	sdelay $0x1  }
0x3d: {  	v3 =	vperm.xlane v3, v2;
	_ =	sdelay $0x1  }
0x3e: {  	s19 =	simm.s32 $0x4100;
	v3 =	vadd.s32 v1, v3  }
0x3f: {  	[tilespmem:s19], [sflag:$0x1] =	stream.indirect_vreg.gather [hbm4b:s1+s16], $0x80, v4, vm0, $0xb8;
	[tilespmem:$0x19100] =	vst v63  }
0x40: {  	s20 =	simm.s32 $0x4900  }
0x41: {  	[tilespmem:s20], [sflag:$0x1] =	stream.indirect_vreg.gather [hbm4b:s7+s16], $0x80, v4, vm0, $0xb8;
	[tilespmem:$0x19100] =	vst v63  }
0x42: {  	s18 =	simm.s32 $0x5100  }
0x43: {  	[tilespmem:s18], [sflag:$0x1] =	stream.indirect_vreg.gather [hbm4b:s1+s16], $0x80, v3, vm0, $0xb8;
	[tilespmem:$0x19100] =	vst v63  }
0x44: {  	s19 =	simm.s32 $0x5900  }
0x45: {  	[tilespmem:s19], [sflag:$0x1] =	stream.indirect_vreg.gather [hbm4b:s7+s16], $0x80, v3, vm0, $0xb8;
	[tilespmem:$0x19100] =	vst v63  }
0x46: {  	v3 =	vld [tilespmem:$0x30];
	_ =	sdelay $0x4  }
0x47: {  	v4 =	vshll.u32 v3, $0x2  }
0x48: {  	v3 =	vand.u32 $0x7, v3;
	v4 =	vand.u32 $0xFFFFFFE0, v4  }
0x49: {  	v3 =	vor.u32 v3, v4  }
0x4a: {  	v4 =	vperm.xlane v3, v0;
	_ =	sdelay $0x1  }
0x4b: {  	v4 =	vadd.s32 v1, v4;
	_ =	sdelay $0x1  }
0x4c: {  	v3 =	vperm.xlane v3, v2;
	_ =	sdelay $0x1  }
0x4d: {  	s20 =	simm.s32 $0x6100;
	v3 =	vadd.s32 v1, v3  }
0x4e: {  	[tilespmem:s20], [sflag:$0x1] =	stream.indirect_vreg.gather [hbm4b:s1+s16], $0x80, v4, vm0, $0xb8;
	[tilespmem:$0x19100] =	vst v63  }
0x4f: {  	s18 =	simm.s32 $0x6900  }
0x50: {  	[tilespmem:s18], [sflag:$0x1] =	stream.indirect_vreg.gather [hbm4b:s7+s16], $0x80, v4, vm0, $0xb8;
	[tilespmem:$0x19100] =	vst v63  }
0x51: {  	s19 =	simm.s32 $0x7100  }
0x52: {  	[tilespmem:s19], [sflag:$0x1] =	stream.indirect_vreg.gather [hbm4b:s1+s16], $0x80, v3, vm0, $0xb8;
	[tilespmem:$0x19100] =	vst v63  }
0x53: {  	s20 =	simm.s32 $0x7900  }
0x54: {  	[tilespmem:s20], [sflag:$0x1] =	stream.indirect_vreg.gather [hbm4b:s7+s16], $0x80, v3, vm0, $0xb8;
	[tilespmem:$0x19100] =	vst v63  }
0x55: {  	v3 =	vld [tilespmem:$0x40];
	_ =	sdelay $0x4  }
0x56: {  	v4 =	vshll.u32 v3, $0x2  }
0x57: {  	v3 =	vand.u32 $0x7, v3;
	v4 =	vand.u32 $0xFFFFFFE0, v4  }
0x58: {  	v3 =	vor.u32 v3, v4  }
0x59: {  	v4 =	vperm.xlane v3, v0;
	_ =	sdelay $0x1  }
0x5a: {  	v4 =	vadd.s32 v1, v4;
	_ =	sdelay $0x1  }
0x5b: {  	v3 =	vperm.xlane v3, v2;
	_ =	sdelay $0x1  }
0x5c: {  	s18 =	simm.s32 $0x8100;
	v3 =	vadd.s32 v1, v3  }
0x5d: {  	[tilespmem:s18], [sflag:$0x1] =	stream.indirect_vreg.gather [hbm4b:s1+s16], $0x80, v4, vm0, $0xb8;
	[tilespmem:$0x19100] =	vst v63  }
0x5e: {  	s19 =	simm.s32 $0x8900  }
0x5f: {  	[tilespmem:s19], [sflag:$0x1] =	stream.indirect_vreg.gather [hbm4b:s7+s16], $0x80, v4, vm0, $0xb8;
	[tilespmem:$0x19100] =	vst v63  }
0x60: {  	s20 =	simm.s32 $0x9100  }
0x61: {  	[tilespmem:s20], [sflag:$0x1] =	stream.indirect_vreg.gather [hbm4b:s1+s16], $0x80, v3, vm0, $0xb8;
	[tilespmem:$0x19100] =	vst v63  }
0x62: {  	s18 =	simm.s32 $0x9900  }
0x63: {  	[tilespmem:s18], [sflag:$0x1] =	stream.indirect_vreg.gather [hbm4b:s7+s16], $0x80, v3, vm0, $0xb8;
	[tilespmem:$0x19100] =	vst v63  }
0x64: {  	v3 =	vld [tilespmem:$0x50];
	_ =	sdelay $0x4  }
0x65: {  	v4 =	vshll.u32 v3, $0x2  }
0x66: {  	v3 =	vand.u32 $0x7, v3;
	v4 =	vand.u32 $0xFFFFFFE0, v4  }
0x67: {  	v3 =	vor.u32 v3, v4  }
0x68: {  	v4 =	vperm.xlane v3, v0;
	_ =	sdelay $0x1  }
0x69: {  	v4 =	vadd.s32 v1, v4;
	_ =	sdelay $0x1  }
0x6a: {  	v3 =	vperm.xlane v3, v2;
	_ =	sdelay $0x1  }
0x6b: {  	s19 =	simm.s32 $0xA100;
	v3 =	vadd.s32 v1, v3  }
0x6c: {  	[tilespmem:s19], [sflag:$0x1] =	stream.indirect_vreg.gather [hbm4b:s1+s16], $0x80, v4, vm0, $0xb8;
	[tilespmem:$0x19100] =	vst v63  }
0x6d: {  	s20 =	simm.s32 $0xA900  }
0x6e: {  	[tilespmem:s20], [sflag:$0x1] =	stream.indirect_vreg.gather [hbm4b:s7+s16], $0x80, v4, vm0, $0xb8;
	[tilespmem:$0x19100] =	vst v63  }
0x6f: {  	s18 =	simm.s32 $0xB100  }
0x70: {  	[tilespmem:s18], [sflag:$0x1] =	stream.indirect_vreg.gather [hbm4b:s1+s16], $0x80, v3, vm0, $0xb8;
	[tilespmem:$0x19100] =	vst v63  }
0x71: {  	s19 =	simm.s32 $0xB900  }
0x72: {  	[tilespmem:s19], [sflag:$0x1] =	stream.indirect_vreg.gather [hbm4b:s7+s16], $0x80, v3, vm0, $0xb8;
	[tilespmem:$0x19100] =	vst v63  }
0x73: {  	v3 =	vld [tilespmem:$0x60];
	_ =	sdelay $0x4  }
0x74: {  	v4 =	vshll.u32 v3, $0x2  }
0x75: {  	v3 =	vand.u32 $0x7, v3;
	v4 =	vand.u32 $0xFFFFFFE0, v4  }
0x76: {  	v3 =	vor.u32 v3, v4  }
0x77: {  	v4 =	vperm.xlane v3, v0;
	_ =	sdelay $0x1  }
0x78: {  	v4 =	vadd.s32 v1, v4;
	_ =	sdelay $0x1  }
0x79: {  	v3 =	vperm.xlane v3, v2;
	_ =	sdelay $0x1  }
0x7a: {  	s20 =	simm.s32 $0xC100;
	v3 =	vadd.s32 v1, v3  }
0x7b: {  	[tilespmem:s20], [sflag:$0x1] =	stream.indirect_vreg.gather [hbm4b:s1+s16], $0x80, v4, vm0, $0xb8;
	[tilespmem:$0x19100] =	vst v63  }
0x7c: {  	s18 =	simm.s32 $0xC900  }
0x7d: {  	[tilespmem:s18], [sflag:$0x1] =	stream.indirect_vreg.gather [hbm4b:s7+s16], $0x80, v4, vm0, $0xb8;
	[tilespmem:$0x19100] =	vst v63  }
0x7e: {  	s19 =	simm.s32 $0xD100  }
0x7f: {  	[tilespmem:s19], [sflag:$0x1] =	stream.indirect_vreg.gather [hbm4b:s1+s16], $0x80, v3, vm0, $0xb8;
	[tilespmem:$0x19100] =	vst v63  }
0x80: {  	s20 =	simm.s32 $0xD900  }
0x81: {  	[tilespmem:s20], [sflag:$0x1] =	stream.indirect_vreg.gather [hbm4b:s7+s16], $0x80, v3, vm0, $0xb8;
	[tilespmem:$0x19100] =	vst v63  }
0x82: {  	v3 =	vld [tilespmem:$0x70];
	_ =	sdelay $0x4  }
0x83: {  	v4 =	vshll.u32 v3, $0x2  }
0x84: {  	v3 =	vand.u32 $0x7, v3;
	v4 =	vand.u32 $0xFFFFFFE0, v4  }
0x85: {  	v3 =	vor.u32 v3, v4  }
0x86: {  	v4 =	vperm.xlane v3, v0;
	_ =	sdelay $0x1  }
0x87: {  	v4 =	vadd.s32 v1, v4;
	_ =	sdelay $0x1  }
0x88: {  	v3 =	vperm.xlane v3, v2;
	_ =	sdelay $0x1  }
0x89: {  	s18 =	simm.s32 $0xE100;
	v3 =	vadd.s32 v1, v3  }
0x8a: {  	[tilespmem:s18], [sflag:$0x1] =	stream.indirect_vreg.gather [hbm4b:s1+s16], $0x80, v4, vm0, $0xb8;
	[tilespmem:$0x19100] =	vst v63  }
0x8b: {  	s19 =	simm.s32 $0xE900  }
0x8c: {  	[tilespmem:s19], [sflag:$0x1] =	stream.indirect_vreg.gather [hbm4b:s7+s16], $0x80, v4, vm0, $0xb8;
	[tilespmem:$0x19100] =	vst v63  }
0x8d: {  	s20 =	simm.s32 $0xF100  }
0x8e: {  	[tilespmem:s20], [sflag:$0x1] =	stream.indirect_vreg.gather [hbm4b:s1+s16], $0x80, v3, vm0, $0xb8;
	[tilespmem:$0x19100] =	vst v63  }
0x8f: {  	s18 =	simm.s32 $0xF900  }
0x90: {  	[tilespmem:s18], [sflag:$0x1] =	stream.indirect_vreg.gather [hbm4b:s7+s16], $0x80, v3, vm0, $0xb8;
	[tilespmem:$0x19100] =	vst v63  }
0x91: {  	v3 =	vld [tilespmem:$0x80];
	_ =	sdelay $0x4  }
0x92: {  	v4 =	vshll.u32 v3, $0x2  }
0x93: {  	v3 =	vand.u32 $0x7, v3;
	v4 =	vand.u32 $0xFFFFFFE0, v4  }
0x94: {  	v3 =	vor.u32 v3, v4  }
0x95: {  	v4 =	vperm.xlane v3, v0;
	_ =	sdelay $0x1  }
0x96: {  	v4 =	vadd.s32 v1, v4;
	_ =	sdelay $0x1  }
0x97: {  	v3 =	vperm.xlane v3, v2;
	_ =	sdelay $0x1  }
0x98: {  	s19 =	simm.s32 $0x10100;
	v3 =	vadd.s32 v1, v3  }
0x99: {  	[tilespmem:s19], [sflag:$0x1] =	stream.indirect_vreg.gather [hbm4b:s1+s16], $0x80, v4, vm0, $0xb8;
	[tilespmem:$0x19100] =	vst v63  }
0x9a: {  	s20 =	simm.s32 $0x10900  }
0x9b: {  	[tilespmem:s20], [sflag:$0x1] =	stream.indirect_vreg.gather [hbm4b:s7+s16], $0x80, v4, vm0, $0xb8;
	[tilespmem:$0x19100] =	vst v63  }
0x9c: {  	s18 =	simm.s32 $0x11100  }
0x9d: {  	[tilespmem:s18], [sflag:$0x1] =	stream.indirect_vreg.gather [hbm4b:s1+s16], $0x80, v3, vm0, $0xb8;
	[tilespmem:$0x19100] =	vst v63  }
0x9e: {  	s19 =	simm.s32 $0x11900  }
0x9f: {  	[tilespmem:s19], [sflag:$0x1] =	stream.indirect_vreg.gather [hbm4b:s7+s16], $0x80, v3, vm0, $0xb8;
	[tilespmem:$0x19100] =	vst v63  }
0xa0: {  	v3 =	vld [tilespmem:$0x90];
	_ =	sdelay $0x4  }
0xa1: {  	v4 =	vshll.u32 v3, $0x2  }
0xa2: {  	v3 =	vand.u32 $0x7, v3;
	v4 =	vand.u32 $0xFFFFFFE0, v4  }
0xa3: {  	v3 =	vor.u32 v3, v4  }
0xa4: {  	v4 =	vperm.xlane v3, v0;
	_ =	sdelay $0x1  }
0xa5: {  	v4 =	vadd.s32 v1, v4;
	_ =	sdelay $0x1  }
0xa6: {  	v3 =	vperm.xlane v3, v2;
	_ =	sdelay $0x1  }
0xa7: {  	v3 =	vadd.s32 v1, v3  }
0xa8: {  	[tilespmem:s21], [sflag:$0x1] =	stream.indirect_vreg.gather [hbm4b:s1+s16], $0x80, v4, vm0, $0xb8;
	[tilespmem:$0x19100] =	vst v63  }
0xa9: {  	_ = 	snop  }
0xaa: {  	[tilespmem:s22], [sflag:$0x1] =	stream.indirect_vreg.gather [hbm4b:s7+s16], $0x80, v4, vm0, $0xb8;
	[tilespmem:$0x19100] =	vst v63  }
0xab: {  	_ = 	snop  }
0xac: {  	[tilespmem:s23], [sflag:$0x1] =	stream.indirect_vreg.gather [hbm4b:s1+s16], $0x80, v3, vm0, $0xb8;
	[tilespmem:$0x19100] =	vst v63  }
0xad: {  	_ = 	snop  }
0xae: {  	[tilespmem:s24], [sflag:$0x1] =	stream.indirect_vreg.gather [hbm4b:s7+s16], $0x80, v3, vm0, $0xb8;
	[tilespmem:$0x19100] =	vst v63  }
0xaf: {  	v3 =	vld [tilespmem:$0xA0];
	_ =	sdelay $0x4  }
0xb0: {  	v4 =	vshll.u32 v3, $0x2  }
0xb1: {  	v3 =	vand.u32 $0x7, v3;
	v4 =	vand.u32 $0xFFFFFFE0, v4  }
0xb2: {  	v3 =	vor.u32 v3, v4  }
0xb3: {  	v4 =	vperm.xlane v3, v0;
	_ =	sdelay $0x1  }
0xb4: {  	v4 =	vadd.s32 v1, v4;
	_ =	sdelay $0x1  }
0xb5: {  	v3 =	vperm.xlane v3, v2;
	_ =	sdelay $0x1  }
0xb6: {  	v3 =	vadd.s32 v1, v3  }
0xb7: {  	[tilespmem:s25], [sflag:$0x1] =	stream.indirect_vreg.gather [hbm4b:s1+s16], $0x80, v4, vm0, $0xb8;
	[tilespmem:$0x19100] =	vst v63  }
0xb8: {  	_ = 	snop  }
0xb9: {  	[tilespmem:s26], [sflag:$0x1] =	stream.indirect_vreg.gather [hbm4b:s7+s16], $0x80, v4, vm0, $0xb8;
	[tilespmem:$0x19100] =	vst v63  }
0xba: {  	_ = 	snop  }
0xbb: {  	[tilespmem:s28], [sflag:$0x1] =	stream.indirect_vreg.gather [hbm4b:s1+s16], $0x80, v3, vm0, $0xb8;
	[tilespmem:$0x19100] =	vst v63  }
0xbc: {  	_ = 	snop  }
0xbd: {  	[tilespmem:s29], [sflag:$0x1] =	stream.indirect_vreg.gather [hbm4b:s7+s16], $0x80, v3, vm0, $0xb8;
	[tilespmem:$0x19100] =	vst v63  }
0xbe: {  	v3 =	vld [tilespmem:$0xB0];
	_ =	sdelay $0x4  }
0xbf: {  	v4 =	vshll.u32 v3, $0x2  }
0xc0: {  	v3 =	vand.u32 $0x7, v3;
	v4 =	vand.u32 $0xFFFFFFE0, v4  }
0xc1: {  	v3 =	vor.u32 v3, v4  }
0xc2: {  	v4 =	vperm.xlane v3, v0;
	_ =	sdelay $0x1  }
0xc3: {  	v4 =	vadd.s32 v1, v4;
	_ =	sdelay $0x1  }
0xc4: {  	v3 =	vperm.xlane v3, v2;
	_ =	sdelay $0x1  }
0xc5: {  	v3 =	vadd.s32 v1, v3  }
0xc6: {  	[tilespmem:s30], [sflag:$0x1] =	stream.indirect_vreg.gather [hbm4b:s1+s16], $0x80, v4, vm0, $0xb8;
	[tilespmem:$0x19100] =	vst v63  }
0xc7: {  	_ = 	snop  }
0xc8: {  	[tilespmem:s31], [sflag:$0x1] =	stream.indirect_vreg.gather [hbm4b:s7+s16], $0x80, v4, vm0, $0xb8;
	[tilespmem:$0x19100] =	vst v63  }
0xc9: {  	_ = 	snop  }
0xca: {  	[tilespmem:s0], [sflag:$0x1] =	stream.indirect_vreg.gather [hbm4b:s1+s16], $0x80, v3, vm0, $0xb8;
	[tilespmem:$0x19100] =	vst v63  }
0xcb: {  	_ = 	snop  }
0xcc: {  	[tilespmem:s4], [sflag:$0x1] =	stream.indirect_vreg.gather [hbm4b:s7+s16], $0x80, v3, vm0, $0xb8;
	[tilespmem:$0x19100] =	vst v63  }
0xcd: {  	v3 =	vld.msk [tilespmem:$0xC0], $0xff;
	_ =	sdelay $0x4  }
0xce: {  	v4 =	vshll.u32 v3, $0x2  }
0xcf: {  	v3 =	vand.u32 $0x7, v3;
	v4 =	vand.u32 $0xFFFFFFE0, v4  }
0xd0: {  	v3 =	vor.u32 v3, v4  }
0xd1: {  	v3 =	vperm.xlane v3, v0;
	_ =	sdelay $0x1  }
0xd2: {  	v3 =	vadd.s32 v1, v3;
	_ =	sdelay $0x4  }
0xd3: {  	[tilespmem:s8], [sflag:$0x1] =	stream.indirect_vreg.gather [hbm4b:s1+s16], $0x80, v3, vm0, $0xb8;
	[tilespmem:$0x19100] =	vst v63  }
0xd4: {  	_ = 	snop  }
0xd5: {  	[tilespmem:s3], [sflag:$0x1] =	stream.indirect_vreg.gather [hbm4b:s7+s16], $0x80, v3, vm0, $0xb8;
	[tilespmem:$0x19100] =	vst v63  }
0xd6: {  	_ =	swait.ge [sflag:s2], $0x19000  }
0xd7: {  	s20 =	sand.u32 $0x1F000, s16;
	s16 =	sand.u32 $0x380, s16;
	[sflag:s2] =	ssyncset.done $0x0  }
0xd8: {  	s16 =	sor.u32 s16, s20;
	[sflag:s2] =	ssyncadd.s32 $0xFFFE7000  }
0xd9: {  	v3 =	vld [tilespmem:s16+$0x570]  }
0xda: {  	v4 =	vld [tilespmem:s16+$0x900]  }
0xdb: {  	v5 =	vld [tilespmem:s16+$0x910]  }
0xdc: {  	v6 =	vld [tilespmem:s16+$0x560]  }
0xdd: {  	v7 =	vld [tilespmem:s16+$0x550]  }
0xde: {  	v8 =	vld [tilespmem:s16+$0x920]  }
0xdf: {  	v9 =	vld [tilespmem:s16+$0x540]  }
0xe0: {  	v10 =	vld [tilespmem:s16+$0xD70]  }
0xe1: {  	v11 =	vld [tilespmem:s16+$0xD10]  }
0xe2: {  	v12 =	vld [tilespmem:s16+$0xD50]  }
0xe3: {  	v16 =	vld [tilespmem:s16+$0x930]  }
0xe4: {  	v17 =	vld [tilespmem:s16+$0x940]  }
0xe5: {  	v14 =	vld [tilespmem:s16+$0xD00]  }
0xe6: {  	v13 =	vld [tilespmem:s16+$0xD40]  }
0xe7: {  	v15 =	vld [tilespmem:s16+$0x530];
	v11 =	vmul.f32 $2.262741660e+01, v11  }
0xe8: {  	v18 =	vld [tilespmem:s16+$0x520];
	v10 =	vmul.f32 $2.262741660e+01, v10  }
0xe9: {  	v19 =	vld [tilespmem:s16+$0x510];
	v12 =	vmul.f32 $2.262741660e+01, v12;
	[tilespmem:s16+$0xD10] =	vst v11  }
0xea: {  	v20 =	vld [tilespmem:s16+$0x160];
	v14 =	vmul.f32 $2.262741660e+01, v14;
	[tilespmem:s16+$0xD70] =	vst v10  }
0xeb: {  	v24 =	vld [tilespmem:s16+$0x100];
	v11 =	vmul.f32 $2.262741660e+01, v13;
	[tilespmem:s16+$0xD50] =	vst v12  }
0xec: {  	v15 =	vmul.f32 $2.262741660e+01, v15;
	v10 =	vld [tilespmem:s16+$0xD20];
	[tilespmem:s16+$0xD00] =	vst v14  }
0xed: {  	v13 =	vld [tilespmem:s16+$0x500];
	[tilespmem:s16+$0xD40] =	vst v11;
	v11 =	vmul.f32 $2.262741660e+01, v18  }
0xee: {  	v12 =	vld [tilespmem:s16+$0x170];
	[tilespmem:s16+$0x530] =	vst v15;
	v18 =	vmul.f32 $2.262741660e+01, v9;
	v9 =	vmul.f32 $2.262741660e+01, v19  }
0xef: {  	v22 =	vld [tilespmem:s16+$0x960];
	v21 =	vmul.f32 $2.262741660e+01, v7;
	v20 =	vmul.f32 $2.262741660e+01, v20;
	[tilespmem:s16+$0x520] =	vst v11  }
0xf0: {  	v23 =	vld [tilespmem:s16+$0x970];
	v11 =	vmul.f32 $2.262741660e+01, v6;
	[tilespmem:s16+$0x510] =	vst v9;
	v9 =	vmul.f32 $2.262741660e+01, v8  }
0xf1: {  	[tilespmem:s16+$0x160] =	vst v20;
	v19 =	vld [tilespmem:s16+$0x950];
	v8 =	vmul.f32 $2.262741660e+01, v24;
	v7 =	vmul.f32 $2.262741660e+01, v10  }
0xf2: {  	v14 =	vld [tilespmem:s16+$0x110];
	[tilespmem:s16+$0x550] =	vst v21;
	v6 =	vmul.f32 $2.262741660e+01, v13;
	v10 =	vmul.f32 $2.262741660e+01, v3  }
0xf3: {  	v15 =	vld [tilespmem:s16+$0x140];
	[tilespmem:s16+$0x540] =	vst v18;
	v3 =	vmul.f32 $2.262741660e+01, v12;
	v12 =	vmul.f32 $2.262741660e+01, v4  }
0xf4: {  	v13 =	vmul.f32 $2.262741660e+01, v5;
	v4 =	vmul.f32 $2.262741660e+01, v16;
	v16 =	vld [tilespmem:s16+$0x120];
	[tilespmem:s16+$0xD20] =	vst v7  }
0xf5: {  	v5 =	vmul.f32 $2.262741660e+01, v22;
	[tilespmem:s16+$0x500] =	vst v6;
	v7 =	vmul.f32 $2.262741660e+01, v17;
	v17 =	vld [tilespmem:s16+$0x130]  }
0xf6: {  	s17 =	simm.s32 $0x200;
	s18 =	simm.s32 $0x80;
	v18 =	vld [tilespmem:s16+$0xD30];
	[tilespmem:s16+$0x170] =	vst v3;
	v6 =	vmul.f32 $2.262741660e+01, v19;
	v3 =	vmul.f32 $2.262741660e+01, v23  }
.LBB2_3:
0xf7: {  	s19 =	sand.u32 $0x1F000, s17;
	s20 =	sand.u32 $0x380, s18;
	v14 =	vmul.f32 $2.262741660e+01, v14;
	[tilespmem:s16+$0x560] =	vst v11;
	v11 =	vld [tilespmem:s16+$0xD60]  }
0xf8: {  	p0 =	sne.s32 s17, $0x18E00;
	s17 =	sadd.s32 $0x200, s17;
	s19 =	sor.u32 s20, s19;
	v15 =	vmul.f32 $2.262741660e+01, v15;
	v19 =	vld [tilespmem:s16+$0x150];
	[tilespmem:s16+$0x570] =	vst v10  }
0xf9: {  	v10 =	vld [tilespmem:s19+$0x570];
	v16 =	vmul.f32 $2.262741660e+01, v16;
	[tilespmem:s16+$0x900] =	vst v12  }
0xfa: {  	v12 =	vld [tilespmem:s19+$0x900];
	v17 =	vmul.f32 $2.262741660e+01, v17;
	[tilespmem:s16+$0x910] =	vst v13  }
0xfb: {  	v13 =	vld [tilespmem:s19+$0x910];
	[tilespmem:s16+$0x120] =	vst v16;
	v16 =	vmul.f32 $2.262741660e+01, v18  }
0xfc: {  	v18 =	vld [tilespmem:s19+$0x560];
	[tilespmem:s16+$0x130] =	vst v17;
	v11 =	vmul.f32 $2.262741660e+01, v11  }
0xfd: {  	v17 =	vld [tilespmem:s19+$0x550];
	v19 =	vmul.f32 $2.262741660e+01, v19;
	[tilespmem:s16+$0x920] =	vst v9  }
0xfe: {  	v9 =	vld [tilespmem:s19+$0x920];
	[tilespmem:s16+$0xD30] =	vst v16  }
0xff: {  	v16 =	vld [tilespmem:s19+$0x540];
	[tilespmem:s16+$0x150] =	vst v19  }
0x100: {  	v19 =	vld [tilespmem:s19+$0xD70];
	[tilespmem:s16+$0x140] =	vst v15  }
0x101: {  	v15 =	vld [tilespmem:s19+$0xD10];
	[tilespmem:s16+$0xD60] =	vst v11  }
0x102: {  	v11 =	vld [tilespmem:s19+$0xD50];
	[tilespmem:s16+$0x930] =	vst v4  }
0x103: {  	v4 =	vld [tilespmem:s19+$0x930];
	[tilespmem:s16+$0x940] =	vst v7  }
0x104: {  	v7 =	vld [tilespmem:s19+$0x940];
	[tilespmem:s16+$0x110] =	vst v14  }
0x105: {  	v14 =	vld [tilespmem:s19+$0xD40];
	[tilespmem:s16+$0x950] =	vst v6  }
0x106: {  	v19 =	vmul.f32 $2.262741660e+01, v19;
	v6 =	vld [tilespmem:s19+$0xD00];
	[tilespmem:s16+$0x960] =	vst v5  }
0x107: {  	v5 =	vld [tilespmem:s19+$0x530];
	[tilespmem:s16+$0x100] =	vst v8  }
0x108: {  	v15 =	vmul.f32 $2.262741660e+01, v15;
	v8 =	vld [tilespmem:s19+$0x520];
	[tilespmem:s16+$0x970] =	vst v3;
	s16 =	smov.u32 s19  }
0x109: {  	v11 =	vmul.f32 $2.262741660e+01, v11;
	v3 =	vld [tilespmem:s16+$0x510];
	[tilespmem:s16+$0xD70] =	vst v19  }
0x10a: {  	v19 =	vmul.f32 $2.262741660e+01, v16;
	[tilespmem:s16+$0xD10] =	vst v15;
	v15 =	vld [tilespmem:s16+$0xD20];
	v14 =	vmul.f32 $2.262741660e+01, v14  }
0x10b: {  	v20 =	vmul.f32 $2.262741660e+01, v17;
	v16 =	vld [tilespmem:s16+$0x500];
	v6 =	vmul.f32 $2.262741660e+01, v6;
	[tilespmem:s16+$0xD50] =	vst v11  }
0x10c: {  	v11 =	vmul.f32 $2.262741660e+01, v18;
	v17 =	vld [tilespmem:s16+$0x170];
	v5 =	vmul.f32 $2.262741660e+01, v5;
	[tilespmem:s16+$0xD40] =	vst v14  }
0x10d: {  	v10 =	vmul.f32 $2.262741660e+01, v10;
	v18 =	vld [tilespmem:s16+$0x160];
	v8 =	vmul.f32 $2.262741660e+01, v8;
	[tilespmem:s16+$0xD00] =	vst v6  }
0x10e: {  	v12 =	vmul.f32 $2.262741660e+01, v12;
	v3 =	vmul.f32 $2.262741660e+01, v3;
	[tilespmem:s16+$0x530] =	vst v5;
	v5 =	vld [tilespmem:s16+$0x950]  }
0x10f: {  	v13 =	vmul.f32 $2.262741660e+01, v13;
	[tilespmem:s16+$0x520] =	vst v8;
	v8 =	vld [tilespmem:s16+$0x960];
	v6 =	vmul.f32 $2.262741660e+01, v15  }
0x110: {  	v9 =	vmul.f32 $2.262741660e+01, v9;
	v15 =	vmul.f32 $2.262741660e+01, v16;
	[tilespmem:s16+$0x510] =	vst v3;
	v3 =	vld [tilespmem:s16+$0x970]  }
0x111: {  	v4 =	vmul.f32 $2.262741660e+01, v4;
	v21 =	vld [tilespmem:s16+$0x100];
	v16 =	vmul.f32 $2.262741660e+01, v17;
	[tilespmem:s16+$0xD20] =	vst v6  }
.Ltmp0:
0x112: {  	v7 =	vmul.f32 $2.262741660e+01, v7;
	v14 =	vld [tilespmem:s16+$0x110];
	v17 =	vmul.f32 $2.262741660e+01, v18;
	[tilespmem:s16+$0x500] =	vst v15;
	(pc) =	sbr.rel @p0 .LBB2_3-.Ltmp0, $4  }
0x113: {  	v15 =	vld [tilespmem:s16+$0x140];
	[tilespmem:s16+$0x170] =	vst v16;
	v6 =	vmul.f32 $2.262741660e+01, v5  }
0x114: {  	v16 =	vld [tilespmem:s16+$0x120];
	[tilespmem:s16+$0x160] =	vst v17;
	v5 =	vmul.f32 $2.262741660e+01, v8  }
0x115: {  	v17 =	vld [tilespmem:s16+$0x130];
	[tilespmem:s16+$0x540] =	vst v19;
	v3 =	vmul.f32 $2.262741660e+01, v3  }
0x116: {  	s18 =	sadd.s32 $0x80, s18;
	v8 =	vmul.f32 $2.262741660e+01, v21;
	[tilespmem:s16+$0x550] =	vst v20;
	v18 =	vld [tilespmem:s16+$0xD30]  }
0x117: {  	[tilespmem:s16+$0x560] =	vst v11  }
0x118: {  	[tilespmem:s16+$0x570] =	vst v10  }
0x119: {  	[tilespmem:s16+$0x900] =	vst v12  }
0x11a: {  	[tilespmem:s16+$0x910] =	vst v13  }
0x11b: {  	[tilespmem:s16+$0x920] =	vst v9  }
0x11c: {  	[tilespmem:s16+$0x930] =	vst v4  }
0x11d: {  	[tilespmem:s16+$0x940] =	vst v7  }
0x11e: {  	[tilespmem:s16+$0x950] =	vst v6  }
0x11f: {  	[tilespmem:s16+$0x960] =	vst v5  }
0x120: {  	v56 =	vld [tilespmem:s16+$0x150];
	v63 =	vmul.f32 $2.262741660e+01, v14;
	[tilespmem:s16+$0x970] =	vst v3  }
0x121: {  	v58 =	vld [tilespmem:s16+$0xD60];
	v61 =	vmul.f32 $2.262741660e+01, v15;
	[tilespmem:s16+$0x100] =	vst v8  }
0x122: {  	v57 =	vmul.f32 $2.262741660e+01, v16;
	[tilespmem:s16+$0x110] =	vst v63  }
0x123: {  	v59 =	vmul.f32 $2.262741660e+01, v17;
	[tilespmem:s16+$0x140] =	vst v61  }
0x124: {  	s15 =	smul.u32 $0xC80000, s15;
	[tilespmem:s16+$0x120] =	vst v57;
	v60 =	vmul.f32 $2.262741660e+01, v18  }
0x125: {  	s14 =	sshll.u32 s14, $0xC;
	[tilespmem:s16+$0x130] =	vst v59;
	v11 =	vmul.f32 $2.262741660e+01, v56  }
0x126: {  	s13 =	sadd.s32 $0x1, s13;
	s14 =	sadd.s32 s15, s14;
	v62 =	vmul.f32 $2.262741660e+01, v58;
	[tilespmem:s16+$0xD30] =	vst v60  }
0x127: {  	s20 =	rddreg [dreg:$0x2];
	p0 =	sne.s32 s13, $0x8;
	s14 =	sshrl.u32 s14, $0x3;
	[tilespmem:s16+$0x150] =	vst v11  }
.Ltmp1:
0x128: {  	s14 =	sadd.s32 s20, s14;
	[tilespmem:s16+$0xD60] =	vst v62;
	(pc) =	sbr.rel @p0 .LBB2_2-.Ltmp1, $4  }
0x129: {  	[hbm4b:s14+s11] =	stream.strided.scatter [tilespmem:s10], [sflag:$0x2], $0x19000, s12, s11, $0x38;
	[tilespmem:$0x19100] =	vst v63  }
0x12a: {  	_ =	swait.ge [sflag:s9], $0x19000  }
0x12b: {  	[sflag:s9] =	ssyncset.done $0x0  }
0x12c: {  	[sflag:s9] =	ssyncadd.s32 $0xFFFE7000  }
0x12d: {  	s13 =	rddreg [dreg:$0x4]  }
0x12e: {  	s14 =	rddreg [dreg:$0x5];
	s13 =	sadd.s32 $0x1, s13  }
0x12f: {  	p0 =	sne.s32 s13, s14  }
.Ltmp2:
0x130: {  	_ = 	snop;
	(pc) =	sbr.rel @p0 .LBB2_1-.Ltmp2, $1  }
0x131: {  	_ =	sdelay $0x3  }
0x132: {  	_ =	sfence.sel $0x180000  }
0x133: {  	[bflag:$0x0] =	sbarrier.arrive $0xFFFF  }
0x134: {  	_ =	strace $0x90000047  }
0x135: {  	s0 =	stileid.u32;
	[bflag:$0x2] =	sbarrier.arrive $0xFFFF  }
0x136: {  	p0 =	sne.s32 s0, $0x0;
	s0 =	rddreg [dreg:$0x3]  }
0x137: {  	s0 =	sadd.s32 @!p0 $0x100000, s0  }
0x138: {  	[sflag:s0] =	ssyncadd.tile.s32 @!p0 $0x1;
	_ =	shalt  }
.Lfunc_end2:
_tile_overlayer_lowered:
.L_overlay_start_2:
0x139: {  	(tag) =	ssettag $0x2  }
0x13a: {  	s0 =	rddreg [dreg:$0x0];
	s2 =	stileid.u32  }
0x13b: {  	s1 =	rddreg [dreg:$0x1];
	p0 =	sne.s32 s2, $0x0  }
0x13c: {  	s3 =	rddreg [dreg:$0x2];
	[bflag:$0x3] =	sbarrier.arrive $0xFFFF;
	s2 =	simm.s32 @!p0 $0x1C02  }
0x13d: {  	[timem:s3], [sflag:s2] =	dma.local @!p0 [hbm:s0], s1  }
0x13e: {  	s0 =	simm.s32 @!p0 $0x2  }
0x13f: {  	_ =	swait.ge @!p0 [sflag:s0], s1  }
0x140: {  	s1 =	ssub.s32 @!p0 $0x0, s1;
	[sflag:s0] =	ssyncset.done @!p0 $0x0  }
0x141: {  	[sflag:s0] =	ssyncadd.s32 @!p0 s1  }
0x142: {  	[bflag:$0x3] =	sbarrier.arrive $0xFFFF  }
0x143: {  	_ =	shalt  }

</sc_bundles>
